<compile_context>
chip_gen: v7x
topology: tpu7x:2x2x1
jax: 0.10.2.dev20260603
libtpu: 0.0.44.dev20260713+nightly
codegen_flags: <defaults>
</compile_context>

<pallas_src>
import functools

import jax
import jax.numpy as jnp
from jax import lax
from jax.experimental import pallas as pl
from jax.experimental.pallas import tpu as pltpu
from jax.experimental.pallas import tpu_sc as plsc

NC = 2
NS = 16
NW = NC * NS
C = 128
L = 16


@functools.lru_cache(maxsize=None)
def _build(e_pad: int, d: int):
    ew = e_pad // NW
    n_chunks = ew // C
    kd = d // L

    mesh = plsc.VectorSubcoreMesh(core_axis_name="c", subcore_axis_name="s")

    @functools.partial(
        pl.kernel,
        out_type=jax.ShapeDtypeStruct((e_pad,), jnp.float32),
        mesh=mesh,
        compiler_params=pltpu.CompilerParams(needs_layout_passes=False),
        scratch_types=[
            pltpu.VMEM((C,), jnp.int32),
            pltpu.VMEM((C,), jnp.int32),
            pltpu.VMEM((C, d), jnp.float32),
            pltpu.VMEM((C, d), jnp.float32),
            pltpu.VMEM((C,), jnp.float32),
            pltpu.SemaphoreType.DMA,
            pltpu.SemaphoreType.DMA,
        ],
    )
    def gather_dot(users_hbm, series_hbm, src_hbm, dst_hbm, out_hbm,
                   src_v, dst_v, u_v, s_v, out_v, sem_u, sem_s):
        wid = lax.axis_index("s") * NC + lax.axis_index("c")
        base = wid * ew
        rows16 = lax.iota(jnp.int32, L)

        def chunk_body(t, carry):
            off = base + t * C
            pltpu.sync_copy(src_hbm.at[pl.ds(off, C)], src_v)
            pltpu.sync_copy(dst_hbm.at[pl.ds(off, C)], dst_v)
            cu = pltpu.async_copy(users_hbm.at[src_v], u_v, sem_u)
            cs = pltpu.async_copy(series_hbm.at[dst_v], s_v, sem_s)
            cu.wait()
            cs.wait()

            def group_body(g, c2):
                row0 = g * L
                tot = jnp.zeros((L,), jnp.float32)
                for e in range(L):
                    r = row0 + e
                    acc = u_v[r, pl.ds(0, L)] * s_v[r, pl.ds(0, L)]
                    for k in range(1, kd):
                        acc = acc + (u_v[r, pl.ds(k * L, L)]
                                     * s_v[r, pl.ds(k * L, L)])
                    tot = jnp.where(rows16 == e, jnp.sum(acc), tot)
                out_v[pl.ds(row0, L)] = tot
                return c2

            lax.fori_loop(0, C // L, group_body, 0)
            pltpu.sync_copy(out_v, out_hbm.at[pl.ds(off, C)])
            return carry

        lax.fori_loop(0, n_chunks, chunk_body, 0)

    return gather_dot


def kernel(users, series, edge_label_index):
    e = edge_label_index.shape[1]
    d = users.shape[1]
    src = edge_label_index[0].astype(jnp.int32)
    dst = edge_label_index[1].astype(jnp.int32)
    e_pad = -(-e // (NW * C)) * (NW * C)
    if e_pad != e:
        src = jnp.pad(src, (0, e_pad - e))
        dst = jnp.pad(dst, (0, e_pad - e))
    out = _build(e_pad, d)(users, series, src, dst)
    return out[:e]

# --- scband reference (transcript-rebuilt; emitter-appended) ---
"""Pipeline reference for scband-classifier-58866821759237 (READ-ONLY COPY).

The authoritative reference and input builder live on the scoring server;
editing this copy changes nothing except your own understanding.
"""

import jax, jax.numpy as jnp
import numpy as np

N_USERS = 100000
N_SERIES = 100000
D = 128
E = 500000


def setup_inputs(seed: int = 0) -> dict:
    key = jax.random.key(seed)
    k1, k2, k3, k4 = jax.random.split(key, 4)
    users = jax.random.normal(k1, (N_USERS, D), dtype=jnp.float32)
    series = jax.random.normal(k2, (N_SERIES, D), dtype=jnp.float32)
    src_idx = jax.random.randint(k3, (E,), 0, N_USERS, dtype=jnp.int64)
    dst_idx = jax.random.randint(k4, (E,), 0, N_SERIES, dtype=jnp.int64)
    edge_label_index = jnp.stack([src_idx, dst_idx], axis=0)
    return {"users": users, "series": series, "edge_label_index": edge_label_index}


def reference(users, series, edge_label_index):
    # Faithful translation of Classifier.forward (edge_label_index branch):
    # src = users[edge_label_index[0]]; dst = series[edge_label_index[1]]
    # return (src * dst).sum(dim=-1)
    src = jnp.take(users, edge_label_index[0], axis=0)
    dst = jnp.take(series, edge_label_index[1], axis=0)
    return (src * dst).sum(axis=-1)

if __name__ == "__main__":
    import jax
    _d = setup_inputs()
    print(jax.jit(kernel)(*tuple(_d.values())))

</pallas_src>

<mosaic_0001>
#map = affine_map<(d0, d1) -> (0, 0)>
#map1 = affine_map<(d0, d1) -> (0)>
module attributes {stable_mosaic.version = 14 : i64} {
  func.func @gather_dot(%arg0: i32, %arg1: i32, %arg2: memref<100000x128xf32, #tpu.memory_space<hbm>>, %arg3: memref<100000x128xf32, #tpu.memory_space<hbm>>, %arg4: memref<503808xi32, #tpu.memory_space<hbm>>, %arg5: memref<503808xi32, #tpu.memory_space<hbm>>, %arg6: memref<503808xf32, #tpu.memory_space<hbm>>, %arg7: memref<128xi32, #tpu.memory_space<vmem>>, %arg8: memref<128xi32, #tpu.memory_space<vmem>>, %arg9: memref<128x128xf32, #tpu.memory_space<vmem>>, %arg10: memref<128x128xf32, #tpu.memory_space<vmem>>, %arg11: memref<128xf32, #tpu.memory_space<vmem>>, %arg12: memref<!tpu.dma_semaphore, #tpu.memory_space<semaphore_mem>>, %arg13: memref<!tpu.dma_semaphore, #tpu.memory_space<semaphore_mem>>) attributes {dimension_semantics = [#tpu.dimension_semantics<core_parallel>, #tpu.dimension_semantics<subcore_parallel>], iteration_bounds = array<i64: 2, 16>, scalar_prefetch = 0 : i64, scratch_operands = 7 : i64, tpu.core_type = #tpu.core_type<sc_vector_subcore>, window_params = [{transform_indices = #map}, {transform_indices = #map}, {transform_indices = #map1}, {transform_indices = #map1}, {transform_indices = #map1}]} {
    %mul3A = arith.constant 2 : i32
    %mul3A_0 = arith.muli %arg1, %mul3A : i32
    %add3A = arith.addi %mul3A_0, %arg0 : i32
    %mul3A_1 = arith.constant 15744 : i32
    %mul3A_2 = arith.muli %add3A, %mul3A_1 : i32
    %iota3A = tpu.iota {dimensions = array<i32: 0>} : vector<16xi32>
    %scan3A = arith.constant 0 : i32
    %scan3A_3 = arith.constant 0 : i32
    %scan3A_4 = arith.constant 123 : i32
    %scan3A_5 = arith.addi %scan3A_3, %scan3A_4 : i32
    %scan3A_6 = arith.constant 1 : i32
    scf.for %scan3A_8 = %scan3A_3 to %scan3A_5 step %scan3A_6  : i32 {
      %mul3A_9 = arith.constant 128 : i32
      %mul3A_10 = arith.muli %scan3A_8, %mul3A_9 : i32
      %add3A_11 = arith.addi %mul3A_2, %mul3A_10 : i32
      "tpu.region"() ({
        %run_scoped3A = tpu.sem_alloc : memref<!tpu.dma_semaphore, #tpu.memory_space<semaphore_mem>>
        %dma_start3A_28 = tpu.memref_slice %arg4[%add3A_11] : memref<503808xi32, #tpu.memory_space<hbm>> -> memref<128xi32, #tpu.memory_space<hbm>>
        %dma_start3A_29 = tpu.memref_slice %arg4[%add3A_11] : memref<503808xi32, #tpu.memory_space<hbm>> -> memref<128xi32, #tpu.memory_space<hbm>>
        tpu.enqueue_dma source(%dma_start3A_29 : memref<128xi32, #tpu.memory_space<hbm>>) target(%arg7 : memref<128xi32, #tpu.memory_space<vmem>>) target_semaphore(%run_scoped3A : memref<!tpu.dma_semaphore, #tpu.memory_space<semaphore_mem>>)
        %dma_wait3A_30 = tpu.memref_slice %arg4[%add3A_11] : memref<503808xi32, #tpu.memory_space<hbm>> -> memref<128xi32, #tpu.memory_space<hbm>>
        %dma_wait3A_31 = tpu.memref_slice %arg4[%add3A_11] : memref<503808xi32, #tpu.memory_space<hbm>> -> memref<128xi32, #tpu.memory_space<hbm>>
        tpu.wait_dma2 semaphore(%run_scoped3A : memref<!tpu.dma_semaphore, #tpu.memory_space<semaphore_mem>>) src(%dma_wait3A_31 : memref<128xi32, #tpu.memory_space<hbm>>) dst(%arg7 : memref<128xi32, #tpu.memory_space<vmem>>)
        tpu.yield
      }) : () -> ()
      "tpu.region"() ({
        %run_scoped3A = tpu.sem_alloc : memref<!tpu.dma_semaphore, #tpu.memory_space<semaphore_mem>>
        %dma_start3A_28 = tpu.memref_slice %arg5[%add3A_11] : memref<503808xi32, #tpu.memory_space<hbm>> -> memref<128xi32, #tpu.memory_space<hbm>>
        %dma_start3A_29 = tpu.memref_slice %arg5[%add3A_11] : memref<503808xi32, #tpu.memory_space<hbm>> -> memref<128xi32, #tpu.memory_space<hbm>>
        tpu.enqueue_dma source(%dma_start3A_29 : memref<128xi32, #tpu.memory_space<hbm>>) target(%arg8 : memref<128xi32, #tpu.memory_space<vmem>>) target_semaphore(%run_scoped3A : memref<!tpu.dma_semaphore, #tpu.memory_space<semaphore_mem>>)
        %dma_wait3A_30 = tpu.memref_slice %arg5[%add3A_11] : memref<503808xi32, #tpu.memory_space<hbm>> -> memref<128xi32, #tpu.memory_space<hbm>>
        %dma_wait3A_31 = tpu.memref_slice %arg5[%add3A_11] : memref<503808xi32, #tpu.memory_space<hbm>> -> memref<128xi32, #tpu.memory_space<hbm>>
        tpu.wait_dma2 semaphore(%run_scoped3A : memref<!tpu.dma_semaphore, #tpu.memory_space<semaphore_mem>>) src(%dma_wait3A_31 : memref<128xi32, #tpu.memory_space<hbm>>) dst(%arg8 : memref<128xi32, #tpu.memory_space<vmem>>)
        tpu.yield
      }) : () -> ()
      %dma_start3A = arith.constant 0 : i32
      %dma_start3A_12 = arith.constant 0 : i32
      %dma_start3A_13 = tpu.memref_slice %arg2[%dma_start3A, %dma_start3A_12] : memref<100000x128xf32, #tpu.memory_space<hbm>> -> memref<100000x128xf32, #tpu.memory_space<hbm>>
      tpu.enqueue_indirect_dma source(%dma_start3A_13 : memref<100000x128xf32, #tpu.memory_space<hbm>>) target(%arg9 : memref<128x128xf32, #tpu.memory_space<vmem>>) offsets(%arg7 : memref<128xi32, #tpu.memory_space<vmem>>) semaphore(%arg12 : memref<!tpu.dma_semaphore, #tpu.memory_space<semaphore_mem>>)
      %dma_start3A_14 = arith.constant 0 : i32
      %dma_start3A_15 = arith.constant 0 : i32
      %dma_start3A_16 = tpu.memref_slice %arg3[%dma_start3A_14, %dma_start3A_15] : memref<100000x128xf32, #tpu.memory_space<hbm>> -> memref<100000x128xf32, #tpu.memory_space<hbm>>
      tpu.enqueue_indirect_dma source(%dma_start3A_16 : memref<100000x128xf32, #tpu.memory_space<hbm>>) target(%arg10 : memref<128x128xf32, #tpu.memory_space<vmem>>) offsets(%arg8 : memref<128xi32, #tpu.memory_space<vmem>>) semaphore(%arg13 : memref<!tpu.dma_semaphore, #tpu.memory_space<semaphore_mem>>)
      %dma_wait3A = arith.constant 0 : i32
      %dma_wait3A_17 = arith.constant 0 : i32
      %dma_wait3A_18 = tpu.memref_slice %arg2[%dma_wait3A, %dma_wait3A_17] : memref<100000x128xf32, #tpu.memory_space<hbm>> -> memref<100000x128xf32, #tpu.memory_space<hbm>>
      tpu.wait_indirect_dma semaphore(%arg12 : memref<!tpu.dma_semaphore, #tpu.memory_space<semaphore_mem>>) src(%dma_wait3A_18 : memref<100000x128xf32, #tpu.memory_space<hbm>>) dst(%arg9 : memref<128x128xf32, #tpu.memory_space<vmem>>)
      %dma_wait3A_19 = arith.constant 0 : i32
      %dma_wait3A_20 = arith.constant 0 : i32
      %dma_wait3A_21 = tpu.memref_slice %arg3[%dma_wait3A_19, %dma_wait3A_20] : memref<100000x128xf32, #tpu.memory_space<hbm>> -> memref<100000x128xf32, #tpu.memory_space<hbm>>
      tpu.wait_indirect_dma semaphore(%arg13 : memref<!tpu.dma_semaphore, #tpu.memory_space<semaphore_mem>>) src(%dma_wait3A_21 : memref<100000x128xf32, #tpu.memory_space<hbm>>) dst(%arg10 : memref<128x128xf32, #tpu.memory_space<vmem>>)
      %scan3A_22 = arith.constant 0 : i32
      %scan3A_23 = arith.constant 0 : i32
      %scan3A_24 = arith.constant 8 : i32
      %scan3A_25 = arith.addi %scan3A_23, %scan3A_24 : i32
      %scan3A_26 = arith.constant 1 : i32
      scf.for %scan3A_28 = %scan3A_23 to %scan3A_25 step %scan3A_26  : i32 {
        %mul3A_29 = arith.constant 16 : i32
        %mul3A_30 = arith.muli %scan3A_28, %mul3A_29 : i32
        %broadcast_in_dim3A = arith.constant 0.000000e+00 : f32
        %broadcast_in_dim3A_31 = vector.broadcast %broadcast_in_dim3A : f32 to vector<16xf32>
        %add3A_32 = arith.constant 0 : i32
        %add3A_33 = arith.addi %mul3A_30, %add3A_32 : i32
        %get3A = arith.index_cast %add3A_33 : i32 to index
        %get3A_34 = arith.constant 0 : index
        %get3A_35 = tpu.vector_load %arg9[%get3A, %get3A_34] {strides = array<i32>} : memref<128x128xf32, #tpu.memory_space<vmem>>, vector<16xf32>,
        %get3A_36 = arith.index_cast %add3A_33 : i32 to index
        %get3A_37 = arith.constant 0 : index
        %get3A_38 = tpu.vector_load %arg10[%get3A_36, %get3A_37] {strides = array<i32>} : memref<128x128xf32, #tpu.memory_space<vmem>>, vector<16xf32>,
        %mul3A_39 = arith.mulf %get3A_35, %get3A_38 : vector<16xf32>
        %get3A_40 = arith.index_cast %add3A_33 : i32 to index
        %get3A_41 = arith.constant 16 : index
        %get3A_42 = tpu.vector_load %arg9[%get3A_40, %get3A_41] {strides = array<i32>} : memref<128x128xf32, #tpu.memory_space<vmem>>, vector<16xf32>,
        %get3A_43 = arith.index_cast %add3A_33 : i32 to index
        %get3A_44 = arith.constant 16 : index
        %get3A_45 = tpu.vector_load %arg10[%get3A_43, %get3A_44] {strides = array<i32>} : memref<128x128xf32, #tpu.memory_space<vmem>>, vector<16xf32>,
        %mul3A_46 = arith.mulf %get3A_42, %get3A_45 : vector<16xf32>
        %add3A_47 = arith.addf %mul3A_39, %mul3A_46 : vector<16xf32>
        %get3A_48 = arith.index_cast %add3A_33 : i32 to index
        %get3A_49 = arith.constant 32 : index
        %get3A_50 = tpu.vector_load %arg9[%get3A_48, %get3A_49] {strides = array<i32>} : memref<128x128xf32, #tpu.memory_space<vmem>>, vector<16xf32>,
        %get3A_51 = arith.index_cast %add3A_33 : i32 to index
        %get3A_52 = arith.constant 32 : index
        %get3A_53 = tpu.vector_load %arg10[%get3A_51, %get3A_52] {strides = array<i32>} : memref<128x128xf32, #tpu.memory_space<vmem>>, vector<16xf32>,
        %mul3A_54 = arith.mulf %get3A_50, %get3A_53 : vector<16xf32>
        %add3A_55 = arith.addf %add3A_47, %mul3A_54 : vector<16xf32>
        %get3A_56 = arith.index_cast %add3A_33 : i32 to index
        %get3A_57 = arith.constant 48 : index
        %get3A_58 = tpu.vector_load %arg9[%get3A_56, %get3A_57] {strides = array<i32>} : memref<128x128xf32, #tpu.memory_space<vmem>>, vector<16xf32>,
        %get3A_59 = arith.index_cast %add3A_33 : i32 to index
        %get3A_60 = arith.constant 48 : index
        %get3A_61 = tpu.vector_load %arg10[%get3A_59, %get3A_60] {strides = array<i32>} : memref<128x128xf32, #tpu.memory_space<vmem>>, vector<16xf32>,
        %mul3A_62 = arith.mulf %get3A_58, %get3A_61 : vector<16xf32>
        %add3A_63 = arith.addf %add3A_55, %mul3A_62 : vector<16xf32>
        %get3A_64 = arith.index_cast %add3A_33 : i32 to index
        %get3A_65 = arith.constant 64 : index
        %get3A_66 = tpu.vector_load %arg9[%get3A_64, %get3A_65] {strides = array<i32>} : memref<128x128xf32, #tpu.memory_space<vmem>>, vector<16xf32>,
        %get3A_67 = arith.index_cast %add3A_33 : i32 to index
        %get3A_68 = arith.constant 64 : index
        %get3A_69 = tpu.vector_load %arg10[%get3A_67, %get3A_68] {strides = array<i32>} : memref<128x128xf32, #tpu.memory_space<vmem>>, vector<16xf32>,
        %mul3A_70 = arith.mulf %get3A_66, %get3A_69 : vector<16xf32>
        %add3A_71 = arith.addf %add3A_63, %mul3A_70 : vector<16xf32>
        %get3A_72 = arith.index_cast %add3A_33 : i32 to index
        %get3A_73 = arith.constant 80 : index
        %get3A_74 = tpu.vector_load %arg9[%get3A_72, %get3A_73] {strides = array<i32>} : memref<128x128xf32, #tpu.memory_space<vmem>>, vector<16xf32>,
        %get3A_75 = arith.index_cast %add3A_33 : i32 to index
        %get3A_76 = arith.constant 80 : index
        %get3A_77 = tpu.vector_load %arg10[%get3A_75, %get3A_76] {strides = array<i32>} : memref<128x128xf32, #tpu.memory_space<vmem>>, vector<16xf32>,
        %mul3A_78 = arith.mulf %get3A_74, %get3A_77 : vector<16xf32>
        %add3A_79 = arith.addf %add3A_71, %mul3A_78 : vector<16xf32>
        %get3A_80 = arith.index_cast %add3A_33 : i32 to index
        %get3A_81 = arith.constant 96 : index
        %get3A_82 = tpu.vector_load %arg9[%get3A_80, %get3A_81] {strides = array<i32>} : memref<128x128xf32, #tpu.memory_space<vmem>>, vector<16xf32>,
        %get3A_83 = arith.index_cast %add3A_33 : i32 to index
        %get3A_84 = arith.constant 96 : index
        %get3A_85 = tpu.vector_load %arg10[%get3A_83, %get3A_84] {strides = array<i32>} : memref<128x128xf32, #tpu.memory_space<vmem>>, vector<16xf32>,
        %mul3A_86 = arith.mulf %get3A_82, %get3A_85 : vector<16xf32>
        %add3A_87 = arith.addf %add3A_79, %mul3A_86 : vector<16xf32>
        %get3A_88 = arith.index_cast %add3A_33 : i32 to index
        %get3A_89 = arith.constant 112 : index
        %get3A_90 = tpu.vector_load %arg9[%get3A_88, %get3A_89] {strides = array<i32>} : memref<128x128xf32, #tpu.memory_space<vmem>>, vector<16xf32>,
        %get3A_91 = arith.index_cast %add3A_33 : i32 to index
        %get3A_92 = arith.constant 112 : index
        %get3A_93 = tpu.vector_load %arg10[%get3A_91, %get3A_92] {strides = array<i32>} : memref<128x128xf32, #tpu.memory_space<vmem>>, vector<16xf32>,
        %mul3A_94 = arith.mulf %get3A_90, %get3A_93 : vector<16xf32>
        %add3A_95 = arith.addf %add3A_87, %mul3A_94 : vector<16xf32>
        %eq3A = arith.constant 0 : i32
        %eq3A_96 = vector.broadcast %eq3A : i32 to vector<16xi32>
        %eq3A_97 = arith.cmpi eq, %iota3A, %eq3A_96 : vector<16xi32>
        %reduce_sum3A = arith.constant true
        %reduce_sum3A_98 = vector.broadcast %reduce_sum3A : i1 to vector<16xi1>
        %reduce_sum3A_99 = tpu.scan <sum>, %add3A_95 masked %reduce_sum3A_98 : vector<16xf32>, vector<16xi1> -> vector<16xf32>
        %reduce_sum3A_100 = vector.extract %reduce_sum3A_99[15] : f32 from vector<16xf32>
        %broadcast_in_dim3A_101 = vector.broadcast %reduce_sum3A_100 : f32 to vector<16xf32>
        %select_n3A = arith.select %eq3A_97, %broadcast_in_dim3A_101, %broadcast_in_dim3A_31 : vector<16xi1>, vector<16xf32>
        %add3A_102 = arith.constant 1 : i32
        %add3A_103 = arith.addi %mul3A_30, %add3A_102 : i32
        %get3A_104 = arith.index_cast %add3A_103 : i32 to index
        %get3A_105 = arith.constant 0 : index
        %get3A_106 = tpu.vector_load %arg9[%get3A_104, %get3A_105] {strides = array<i32>} : memref<128x128xf32, #tpu.memory_space<vmem>>, vector<16xf32>,
        %get3A_107 = arith.index_cast %add3A_103 : i32 to index
        %get3A_108 = arith.constant 0 : index
        %get3A_109 = tpu.vector_load %arg10[%get3A_107, %get3A_108] {strides = array<i32>} : memref<128x128xf32, #tpu.memory_space<vmem>>, vector<16xf32>,
        %mul3A_110 = arith.mulf %get3A_106, %get3A_109 : vector<16xf32>
        %get3A_111 = arith.index_cast %add3A_103 : i32 to index
        %get3A_112 = arith.constant 16 : index
        %get3A_113 = tpu.vector_load %arg9[%get3A_111, %get3A_112] {strides = array<i32>} : memref<128x128xf32, #tpu.memory_space<vmem>>, vector<16xf32>,
        %get3A_114 = arith.index_cast %add3A_103 : i32 to index
        %get3A_115 = arith.constant 16 : index
        %get3A_116 = tpu.vector_load %arg10[%get3A_114, %get3A_115] {strides = array<i32>} : memref<128x128xf32, #tpu.memory_space<vmem>>, vector<16xf32>,
        %mul3A_117 = arith.mulf %get3A_113, %get3A_116 : vector<16xf32>
        %add3A_118 = arith.addf %mul3A_110, %mul3A_117 : vector<16xf32>
        %get3A_119 = arith.index_cast %add3A_103 : i32 to index
        %get3A_120 = arith.constant 32 : index
        %get3A_121 = tpu.vector_load %arg9[%get3A_119, %get3A_120] {strides = array<i32>} : memref<128x128xf32, #tpu.memory_space<vmem>>, vector<16xf32>,
        %get3A_122 = arith.index_cast %add3A_103 : i32 to index
        %get3A_123 = arith.constant 32 : index
        %get3A_124 = tpu.vector_load %arg10[%get3A_122, %get3A_123] {strides = array<i32>} : memref<128x128xf32, #tpu.memory_space<vmem>>, vector<16xf32>,
        %mul3A_125 = arith.mulf %get3A_121, %get3A_124 : vector<16xf32>
        %add3A_126 = arith.addf %add3A_118, %mul3A_125 : vector<16xf32>
        %get3A_127 = arith.index_cast %add3A_103 : i32 to index
        %get3A_128 = arith.constant 48 : index
        %get3A_129 = tpu.vector_load %arg9[%get3A_127, %get3A_128] {strides = array<i32>} : memref<128x128xf32, #tpu.memory_space<vmem>>, vector<16xf32>,
        %get3A_130 = arith.index_cast %add3A_103 : i32 to index
        %get3A_131 = arith.constant 48 : index
        %get3A_132 = tpu.vector_load %arg10[%get3A_130, %get3A_131] {strides = array<i32>} : memref<128x128xf32, #tpu.memory_space<vmem>>, vector<16xf32>,
        %mul3A_133 = arith.mulf %get3A_129, %get3A_132 : vector<16xf32>
        %add3A_134 = arith.addf %add3A_126, %mul3A_133 : vector<16xf32>
        %get3A_135 = arith.index_cast %add3A_103 : i32 to index
        %get3A_136 = arith.constant 64 : index
        %get3A_137 = tpu.vector_load %arg9[%get3A_135, %get3A_136] {strides = array<i32>} : memref<128x128xf32, #tpu.memory_space<vmem>>, vector<16xf32>,
        %get3A_138 = arith.index_cast %add3A_103 : i32 to index
        %get3A_139 = arith.constant 64 : index
        %get3A_140 = tpu.vector_load %arg10[%get3A_138, %get3A_139] {strides = array<i32>} : memref<128x128xf32, #tpu.memory_space<vmem>>, vector<16xf32>,
        %mul3A_141 = arith.mulf %get3A_137, %get3A_140 : vector<16xf32>
        %add3A_142 = arith.addf %add3A_134, %mul3A_141 : vector<16xf32>
        %get3A_143 = arith.index_cast %add3A_103 : i32 to index
        %get3A_144 = arith.constant 80 : index
        %get3A_145 = tpu.vector_load %arg9[%get3A_143, %get3A_144] {strides = array<i32>} : memref<128x128xf32, #tpu.memory_space<vmem>>, vector<16xf32>,
        %get3A_146 = arith.index_cast %add3A_103 : i32 to index
        %get3A_147 = arith.constant 80 : index
        %get3A_148 = tpu.vector_load %arg10[%get3A_146, %get3A_147] {strides = array<i32>} : memref<128x128xf32, #tpu.memory_space<vmem>>, vector<16xf32>,
        %mul3A_149 = arith.mulf %get3A_145, %get3A_148 : vector<16xf32>
        %add3A_150 = arith.addf %add3A_142, %mul3A_149 : vector<16xf32>
        %get3A_151 = arith.index_cast %add3A_103 : i32 to index
        %get3A_152 = arith.constant 96 : index
        %get3A_153 = tpu.vector_load %arg9[%get3A_151, %get3A_152] {strides = array<i32>} : memref<128x128xf32, #tpu.memory_space<vmem>>, vector<16xf32>,
        %get3A_154 = arith.index_cast %add3A_103 : i32 to index
        %get3A_155 = arith.constant 96 : index
        %get3A_156 = tpu.vector_load %arg10[%get3A_154, %get3A_155] {strides = array<i32>} : memref<128x128xf32, #tpu.memory_space<vmem>>, vector<16xf32>,
        %mul3A_157 = arith.mulf %get3A_153, %get3A_156 : vector<16xf32>
        %add3A_158 = arith.addf %add3A_150, %mul3A_157 : vector<16xf32>
        %get3A_159 = arith.index_cast %add3A_103 : i32 to index
        %get3A_160 = arith.constant 112 : index
        %get3A_161 = tpu.vector_load %arg9[%get3A_159, %get3A_160] {strides = array<i32>} : memref<128x128xf32, #tpu.memory_space<vmem>>, vector<16xf32>,
        %get3A_162 = arith.index_cast %add3A_103 : i32 to index
        %get3A_163 = arith.constant 112 : index
        %get3A_164 = tpu.vector_load %arg10[%get3A_162, %get3A_163] {strides = array<i32>} : memref<128x128xf32, #tpu.memory_space<vmem>>, vector<16xf32>,
        %mul3A_165 = arith.mulf %get3A_161, %get3A_164 : vector<16xf32>
        %add3A_166 = arith.addf %add3A_158, %mul3A_165 : vector<16xf32>
        %eq3A_167 = arith.constant 1 : i32
        %eq3A_168 = vector.broadcast %eq3A_167 : i32 to vector<16xi32>
        %eq3A_169 = arith.cmpi eq, %iota3A, %eq3A_168 : vector<16xi32>
        %reduce_sum3A_170 = arith.constant true
        %reduce_sum3A_171 = vector.broadcast %reduce_sum3A_170 : i1 to vector<16xi1>
        %reduce_sum3A_172 = tpu.scan <sum>, %add3A_166 masked %reduce_sum3A_171 : vector<16xf32>, vector<16xi1> -> vector<16xf32>
        %reduce_sum3A_173 = vector.extract %reduce_sum3A_172[15] : f32 from vector<16xf32>
        %broadcast_in_dim3A_174 = vector.broadcast %reduce_sum3A_173 : f32 to vector<16xf32>
        %select_n3A_175 = arith.select %eq3A_169, %broadcast_in_dim3A_174, %select_n3A : vector<16xi1>, vector<16xf32>
        %add3A_176 = arith.constant 2 : i32
        %add3A_177 = arith.addi %mul3A_30, %add3A_176 : i32
        %get3A_178 = arith.index_cast %add3A_177 : i32 to index
        %get3A_179 = arith.constant 0 : index
        %get3A_180 = tpu.vector_load %arg9[%get3A_178, %get3A_179] {strides = array<i32>} : memref<128x128xf32, #tpu.memory_space<vmem>>, vector<16xf32>,
        %get3A_181 = arith.index_cast %add3A_177 : i32 to index
        %get3A_182 = arith.constant 0 : index
        %get3A_183 = tpu.vector_load %arg10[%get3A_181, %get3A_182] {strides = array<i32>} : memref<128x128xf32, #tpu.memory_space<vmem>>, vector<16xf32>,
        %mul3A_184 = arith.mulf %get3A_180, %get3A_183 : vector<16xf32>
        %get3A_185 = arith.index_cast %add3A_177 : i32 to index
        %get3A_186 = arith.constant 16 : index
        %get3A_187 = tpu.vector_load %arg9[%get3A_185, %get3A_186] {strides = array<i32>} : memref<128x128xf32, #tpu.memory_space<vmem>>, vector<16xf32>,
        %get3A_188 = arith.index_cast %add3A_177 : i32 to index
        %get3A_189 = arith.constant 16 : index
        %get3A_190 = tpu.vector_load %arg10[%get3A_188, %get3A_189] {strides = array<i32>} : memref<128x128xf32, #tpu.memory_space<vmem>>, vector<16xf32>,
        %mul3A_191 = arith.mulf %get3A_187, %get3A_190 : vector<16xf32>
        %add3A_192 = arith.addf %mul3A_184, %mul3A_191 : vector<16xf32>
        %get3A_193 = arith.index_cast %add3A_177 : i32 to index
        %get3A_194 = arith.constant 32 : index
        %get3A_195 = tpu.vector_load %arg9[%get3A_193, %get3A_194] {strides = array<i32>} : memref<128x128xf32, #tpu.memory_space<vmem>>, vector<16xf32>,
        %get3A_196 = arith.index_cast %add3A_177 : i32 to index
        %get3A_197 = arith.constant 32 : index
        %get3A_198 = tpu.vector_load %arg10[%get3A_196, %get3A_197] {strides = array<i32>} : memref<128x128xf32, #tpu.memory_space<vmem>>, vector<16xf32>,
        %mul3A_199 = arith.mulf %get3A_195, %get3A_198 : vector<16xf32>
        %add3A_200 = arith.addf %add3A_192, %mul3A_199 : vector<16xf32>
        %get3A_201 = arith.index_cast %add3A_177 : i32 to index
        %get3A_202 = arith.constant 48 : index
        %get3A_203 = tpu.vector_load %arg9[%get3A_201, %get3A_202] {strides = array<i32>} : memref<128x128xf32, #tpu.memory_space<vmem>>, vector<16xf32>,
        %get3A_204 = arith.index_cast %add3A_177 : i32 to index
        %get3A_205 = arith.constant 48 : index
        %get3A_206 = tpu.vector_load %arg10[%get3A_204, %get3A_205] {strides = array<i32>} : memref<128x128xf32, #tpu.memory_space<vmem>>, vector<16xf32>,
        %mul3A_207 = arith.mulf %get3A_203, %get3A_206 : vector<16xf32>
        %add3A_208 = arith.addf %add3A_200, %mul3A_207 : vector<16xf32>
        %get3A_209 = arith.index_cast %add3A_177 : i32 to index
        %get3A_210 = arith.constant 64 : index
        %get3A_211 = tpu.vector_load %arg9[%get3A_209, %get3A_210] {strides = array<i32>} : memref<128x128xf32, #tpu.memory_space<vmem>>, vector<16xf32>,
        %get3A_212 = arith.index_cast %add3A_177 : i32 to index
        %get3A_213 = arith.constant 64 : index
        %get3A_214 = tpu.vector_load %arg10[%get3A_212, %get3A_213] {strides = array<i32>} : memref<128x128xf32, #tpu.memory_space<vmem>>, vector<16xf32>,
        %mul3A_215 = arith.mulf %get3A_211, %get3A_214 : vector<16xf32>
        %add3A_216 = arith.addf %add3A_208, %mul3A_215 : vector<16xf32>
        %get3A_217 = arith.index_cast %add3A_177 : i32 to index
        %get3A_218 = arith.constant 80 : index
        %get3A_219 = tpu.vector_load %arg9[%get3A_217, %get3A_218] {strides = array<i32>} : memref<128x128xf32, #tpu.memory_space<vmem>>, vector<16xf32>,
        %get3A_220 = arith.index_cast %add3A_177 : i32 to index
        %get3A_221 = arith.constant 80 : index
        %get3A_222 = tpu.vector_load %arg10[%get3A_220, %get3A_221] {strides = array<i32>} : memref<128x128xf32, #tpu.memory_space<vmem>>, vector<16xf32>,
        %mul3A_223 = arith.mulf %get3A_219, %get3A_222 : vector<16xf32>
        %add3A_224 = arith.addf %add3A_216, %mul3A_223 : vector<16xf32>
        %get3A_225 = arith.index_cast %add3A_177 : i32 to index
        %get3A_226 = arith.constant 96 : index
        %get3A_227 = tpu.vector_load %arg9[%get3A_225, %get3A_226] {strides = array<i32>} : memref<128x128xf32, #tpu.memory_space<vmem>>, vector<16xf32>,
        %get3A_228 = arith.index_cast %add3A_177 : i32 to index
        %get3A_229 = arith.constant 96 : index
        %get3A_230 = tpu.vector_load %arg10[%get3A_228, %get3A_229] {strides = array<i32>} : memref<128x128xf32, #tpu.memory_space<vmem>>, vector<16xf32>,
        %mul3A_231 = arith.mulf %get3A_227, %get3A_230 : vector<16xf32>
        %add3A_232 = arith.addf %add3A_224, %mul3A_231 : vector<16xf32>
        %get3A_233 = arith.index_cast %add3A_177 : i32 to index
        %get3A_234 = arith.constant 112 : index
        %get3A_235 = tpu.vector_load %arg9[%get3A_233, %get3A_234] {strides = array<i32>} : memref<128x128xf32, #tpu.memory_space<vmem>>, vector<16xf32>,
        %get3A_236 = arith.index_cast %add3A_177 : i32 to index
        %get3A_237 = arith.constant 112 : index
        %get3A_238 = tpu.vector_load %arg10[%get3A_236, %get3A_237] {strides = array<i32>} : memref<128x128xf32, #tpu.memory_space<vmem>>, vector<16xf32>,
        %mul3A_239 = arith.mulf %get3A_235, %get3A_238 : vector<16xf32>
        %add3A_240 = arith.addf %add3A_232, %mul3A_239 : vector<16xf32>
        %eq3A_241 = arith.constant 2 : i32
        %eq3A_242 = vector.broadcast %eq3A_241 : i32 to vector<16xi32>
        %eq3A_243 = arith.cmpi eq, %iota3A, %eq3A_242 : vector<16xi32>
        %reduce_sum3A_244 = arith.constant true
        %reduce_sum3A_245 = vector.broadcast %reduce_sum3A_244 : i1 to vector<16xi1>
        %reduce_sum3A_246 = tpu.scan <sum>, %add3A_240 masked %reduce_sum3A_245 : vector<16xf32>, vector<16xi1> -> vector<16xf32>
        %reduce_sum3A_247 = vector.extract %reduce_sum3A_246[15] : f32 from vector<16xf32>
        %broadcast_in_dim3A_248 = vector.broadcast %reduce_sum3A_247 : f32 to vector<16xf32>
        %select_n3A_249 = arith.select %eq3A_243, %broadcast_in_dim3A_248, %select_n3A_175 : vector<16xi1>, vector<16xf32>
        %add3A_250 = arith.constant 3 : i32
        %add3A_251 = arith.addi %mul3A_30, %add3A_250 : i32
        %get3A_252 = arith.index_cast %add3A_251 : i32 to index
        %get3A_253 = arith.constant 0 : index
        %get3A_254 = tpu.vector_load %arg9[%get3A_252, %get3A_253] {strides = array<i32>} : memref<128x128xf32, #tpu.memory_space<vmem>>, vector<16xf32>,
        %get3A_255 = arith.index_cast %add3A_251 : i32 to index
        %get3A_256 = arith.constant 0 : index
        %get3A_257 = tpu.vector_load %arg10[%get3A_255, %get3A_256] {strides = array<i32>} : memref<128x128xf32, #tpu.memory_space<vmem>>, vector<16xf32>,
        %mul3A_258 = arith.mulf %get3A_254, %get3A_257 : vector<16xf32>
        %get3A_259 = arith.index_cast %add3A_251 : i32 to index
        %get3A_260 = arith.constant 16 : index
        %get3A_261 = tpu.vector_load %arg9[%get3A_259, %get3A_260] {strides = array<i32>} : memref<128x128xf32, #tpu.memory_space<vmem>>, vector<16xf32>,
        %get3A_262 = arith.index_cast %add3A_251 : i32 to index
        %get3A_263 = arith.constant 16 : index
        %get3A_264 = tpu.vector_load %arg10[%get3A_262, %get3A_263] {strides = array<i32>} : memref<128x128xf32, #tpu.memory_space<vmem>>, vector<16xf32>,
        %mul3A_265 = arith.mulf %get3A_261, %get3A_264 : vector<16xf32>
        %add3A_266 = arith.addf %mul3A_258, %mul3A_265 : vector<16xf32>
        %get3A_267 = arith.index_cast %add3A_251 : i32 to index
        %get3A_268 = arith.constant 32 : index
        %get3A_269 = tpu.vector_load %arg9[%get3A_267, %get3A_268] {strides = array<i32>} : memref<128x128xf32, #tpu.memory_space<vmem>>, vector<16xf32>,
        %get3A_270 = arith.index_cast %add3A_251 : i32 to index
        %get3A_271 = arith.constant 32 : index
        %get3A_272 = tpu.vector_load %arg10[%get3A_270, %get3A_271] {strides = array<i32>} : memref<128x128xf32, #tpu.memory_space<vmem>>, vector<16xf32>,
        %mul3A_273 = arith.mulf %get3A_269, %get3A_272 : vector<16xf32>
        %add3A_274 = arith.addf %add3A_266, %mul3A_273 : vector<16xf32>
        %get3A_275 = arith.index_cast %add3A_251 : i32 to index
        %get3A_276 = arith.constant 48 : index
        %get3A_277 = tpu.vector_load %arg9[%get3A_275, %get3A_276] {strides = array<i32>} : memref<128x128xf32, #tpu.memory_space<vmem>>, vector<16xf32>,
        %get3A_278 = arith.index_cast %add3A_251 : i32 to index
        %get3A_279 = arith.constant 48 : index
        %get3A_280 = tpu.vector_load %arg10[%get3A_278, %get3A_279] {strides = array<i32>} : memref<128x128xf32, #tpu.memory_space<vmem>>, vector<16xf32>,
        %mul3A_281 = arith.mulf %get3A_277, %get3A_280 : vector<16xf32>
        %add3A_282 = arith.addf %add3A_274, %mul3A_281 : vector<16xf32>
        %get3A_283 = arith.index_cast %add3A_251 : i32 to index
        %get3A_284 = arith.constant 64 : index
        %get3A_285 = tpu.vector_load %arg9[%get3A_283, %get3A_284] {strides = array<i32>} : memref<128x128xf32, #tpu.memory_space<vmem>>, vector<16xf32>,
        %get3A_286 = arith.index_cast %add3A_251 : i32 to index
        %get3A_287 = arith.constant 64 : index
        %get3A_288 = tpu.vector_load %arg10[%get3A_286, %get3A_287] {strides = array<i32>} : memref<128x128xf32, #tpu.memory_space<vmem>>, vector<16xf32>,
        %mul3A_289 = arith.mulf %get3A_285, %get3A_288 : vector<16xf32>
        %add3A_290 = arith.addf %add3A_282, %mul3A_289 : vector<16xf32>
        %get3A_291 = arith.index_cast %add3A_251 : i32 to index
        %get3A_292 = arith.constant 80 : index
        %get3A_293 = tpu.vector_load %arg9[%get3A_291, %get3A_292] {strides = array<i32>} : memref<128x128xf32, #tpu.memory_space<vmem>>, vector<16xf32>,
        %get3A_294 = arith.index_cast %add3A_251 : i32 to index
        %get3A_295 = arith.constant 80 : index
        %get3A_296 = tpu.vector_load %arg10[%get3A_294, %get3A_295] {strides = array<i32>} : memref<128x128xf32, #tpu.memory_space<vmem>>, vector<16xf32>,
        %mul3A_297 = arith.mulf %get3A_293, %get3A_296 : vector<16xf32>
        %add3A_298 = arith.addf %add3A_290, %mul3A_297 : vector<16xf32>
        %get3A_299 = arith.index_cast %add3A_251 : i32 to index
        %get3A_300 = arith.constant 96 : index
        %get3A_301 = tpu.vector_load %arg9[%get3A_299, %get3A_300] {strides = array<i32>} : memref<128x128xf32, #tpu.memory_space<vmem>>, vector<16xf32>,
        %get3A_302 = arith.index_cast %add3A_251 : i32 to index
        %get3A_303 = arith.constant 96 : index
        %get3A_304 = tpu.vector_load %arg10[%get3A_302, %get3A_303] {strides = array<i32>} : memref<128x128xf32, #tpu.memory_space<vmem>>, vector<16xf32>,
        %mul3A_305 = arith.mulf %get3A_301, %get3A_304 : vector<16xf32>
        %add3A_306 = arith.addf %add3A_298, %mul3A_305 : vector<16xf32>
        %get3A_307 = arith.index_cast %add3A_251 : i32 to index
        %get3A_308 = arith.constant 112 : index
        %get3A_309 = tpu.vector_load %arg9[%get3A_307, %get3A_308] {strides = array<i32>} : memref<128x128xf32, #tpu.memory_space<vmem>>, vector<16xf32>,
        %get3A_310 = arith.index_cast %add3A_251 : i32 to index
        %get3A_311 = arith.constant 112 : index
        %get3A_312 = tpu.vector_load %arg10[%get3A_310, %get3A_311] {strides = array<i32>} : memref<128x128xf32, #tpu.memory_space<vmem>>, vector<16xf32>,
        %mul3A_313 = arith.mulf %get3A_309, %get3A_312 : vector<16xf32>
        %add3A_314 = arith.addf %add3A_306, %mul3A_313 : vector<16xf32>
        %eq3A_315 = arith.constant 3 : i32
        %eq3A_316 = vector.broadcast %eq3A_315 : i32 to vector<16xi32>
        %eq3A_317 = arith.cmpi eq, %iota3A, %eq3A_316 : vector<16xi32>
        %reduce_sum3A_318 = arith.constant true
        %reduce_sum3A_319 = vector.broadcast %reduce_sum3A_318 : i1 to vector<16xi1>
        %reduce_sum3A_320 = tpu.scan <sum>, %add3A_314 masked %reduce_sum3A_319 : vector<16xf32>, vector<16xi1> -> vector<16xf32>
        %reduce_sum3A_321 = vector.extract %reduce_sum3A_320[15] : f32 from vector<16xf32>
        %broadcast_in_dim3A_322 = vector.broadcast %reduce_sum3A_321 : f32 to vector<16xf32>
        %select_n3A_323 = arith.select %eq3A_317, %broadcast_in_dim3A_322, %select_n3A_249 : vector<16xi1>, vector<16xf32>
        %add3A_324 = arith.constant 4 : i32
        %add3A_325 = arith.addi %mul3A_30, %add3A_324 : i32
        %get3A_326 = arith.index_cast %add3A_325 : i32 to index
        %get3A_327 = arith.constant 0 : index
        %get3A_328 = tpu.vector_load %arg9[%get3A_326, %get3A_327] {strides = array<i32>} : memref<128x128xf32, #tpu.memory_space<vmem>>, vector<16xf32>,
        %get3A_329 = arith.index_cast %add3A_325 : i32 to index
        %get3A_330 = arith.constant 0 : index
        %get3A_331 = tpu.vector_load %arg10[%get3A_329, %get3A_330] {strides = array<i32>} : memref<128x128xf32, #tpu.memory_space<vmem>>, vector<16xf32>,
        %mul3A_332 = arith.mulf %get3A_328, %get3A_331 : vector<16xf32>
        %get3A_333 = arith.index_cast %add3A_325 : i32 to index
        %get3A_334 = arith.constant 16 : index
        %get3A_335 = tpu.vector_load %arg9[%get3A_333, %get3A_334] {strides = array<i32>} : memref<128x128xf32, #tpu.memory_space<vmem>>, vector<16xf32>,
        %get3A_336 = arith.index_cast %add3A_325 : i32 to index
        %get3A_337 = arith.constant 16 : index
        %get3A_338 = tpu.vector_load %arg10[%get3A_336, %get3A_337] {strides = array<i32>} : memref<128x128xf32, #tpu.memory_space<vmem>>, vector<16xf32>,
        %mul3A_339 = arith.mulf %get3A_335, %get3A_338 : vector<16xf32>
        %add3A_340 = arith.addf %mul3A_332, %mul3A_339 : vector<16xf32>
        %get3A_341 = arith.index_cast %add3A_325 : i32 to index
        %get3A_342 = arith.constant 32 : index
        %get3A_343 = tpu.vector_load %arg9[%get3A_341, %get3A_342] {strides = array<i32>} : memref<128x128xf32, #tpu.memory_space<vmem>>, vector<16xf32>,
        %get3A_344 = arith.index_cast %add3A_325 : i32 to index
        %get3A_345 = arith.constant 32 : index
        %get3A_346 = tpu.vector_load %arg10[%get3A_344, %get3A_345] {strides = array<i32>} : memref<128x128xf32, #tpu.memory_space<vmem>>, vector<16xf32>,
        %mul3A_347 = arith.mulf %get3A_343, %get3A_346 : vector<16xf32>
        %add3A_348 = arith.addf %add3A_340, %mul3A_347 : vector<16xf32>
        %get3A_349 = arith.index_cast %add3A_325 : i32 to index
        %get3A_350 = arith.constant 48 : index
        %get3A_351 = tpu.vector_load %arg9[%get3A_349, %get3A_350] {strides = array<i32>} : memref<128x128xf32, #tpu.memory_space<vmem>>, vector<16xf32>,
        %get3A_352 = arith.index_cast %add3A_325 : i32 to index
        %get3A_353 = arith.constant 48 : index
        %get3A_354 = tpu.vector_load %arg10[%get3A_352, %get3A_353] {strides = array<i32>} : memref<128x128xf32, #tpu.memory_space<vmem>>, vector<16xf32>,
        %mul3A_355 = arith.mulf %get3A_351, %get3A_354 : vector<16xf32>
        %add3A_356 = arith.addf %add3A_348, %mul3A_355 : vector<16xf32>
        %get3A_357 = arith.index_cast %add3A_325 : i32 to index
        %get3A_358 = arith.constant 64 : index
        %get3A_359 = tpu.vector_load %arg9[%get3A_357, %get3A_358] {strides = array<i32>} : memref<128x128xf32, #tpu.memory_space<vmem>>, vector<16xf32>,
        %get3A_360 = arith.index_cast %add3A_325 : i32 to index
        %get3A_361 = arith.constant 64 : index
        %get3A_362 = tpu.vector_load %arg10[%get3A_360, %get3A_361] {strides = array<i32>} : memref<128x128xf32, #tpu.memory_space<vmem>>, vector<16xf32>,
        %mul3A_363 = arith.mulf %get3A_359, %get3A_362 : vector<16xf32>
        %add3A_364 = arith.addf %add3A_356, %mul3A_363 : vector<16xf32>
        %get3A_365 = arith.index_cast %add3A_325 : i32 to index
        %get3A_366 = arith.constant 80 : index
        %get3A_367 = tpu.vector_load %arg9[%get3A_365, %get3A_366] {strides = array<i32>} : memref<128x128xf32, #tpu.memory_space<vmem>>, vector<16xf32>,
        %get3A_368 = arith.index_cast %add3A_325 : i32 to index
        %get3A_369 = arith.constant 80 : index
        %get3A_370 = tpu.vector_load %arg10[%get3A_368, %get3A_369] {strides = array<i32>} : memref<128x128xf32, #tpu.memory_space<vmem>>, vector<16xf32>,
        %mul3A_371 = arith.mulf %get3A_367, %get3A_370 : vector<16xf32>
        %add3A_372 = arith.addf %add3A_364, %mul3A_371 : vector<16xf32>
        %get3A_373 = arith.index_cast %add3A_325 : i32 to index
        %get3A_374 = arith.constant 96 : index
        %get3A_375 = tpu.vector_load %arg9[%get3A_373, %get3A_374] {strides = array<i32>} : memref<128x128xf32, #tpu.memory_space<vmem>>, vector<16xf32>,
        %get3A_376 = arith.index_cast %add3A_325 : i32 to index
        %get3A_377 = arith.constant 96 : index
        %get3A_378 = tpu.vector_load %arg10[%get3A_376, %get3A_377] {strides = array<i32>} : memref<128x128xf32, #tpu.memory_space<vmem>>, vector<16xf32>,
        %mul3A_379 = arith.mulf %get3A_375, %get3A_378 : vector<16xf32>
        %add3A_380 = arith.addf %add3A_372, %mul3A_379 : vector<16xf32>
        %get3A_381 = arith.index_cast %add3A_325 : i32 to index
        %get3A_382 = arith.constant 112 : index
        %get3A_383 = tpu.vector_load %arg9[%get3A_381, %get3A_382] {strides = array<i32>} : memref<128x128xf32, #tpu.memory_space<vmem>>, vector<16xf32>,
        %get3A_384 = arith.index_cast %add3A_325 : i32 to index
        %get3A_385 = arith.constant 112 : index
        %get3A_386 = tpu.vector_load %arg10[%get3A_384, %get3A_385] {strides = array<i32>} : memref<128x128xf32, #tpu.memory_space<vmem>>, vector<16xf32>,
        %mul3A_387 = arith.mulf %get3A_383, %get3A_386 : vector<16xf32>
        %add3A_388 = arith.addf %add3A_380, %mul3A_387 : vector<16xf32>
        %eq3A_389 = arith.constant 4 : i32
        %eq3A_390 = vector.broadcast %eq3A_389 : i32 to vector<16xi32>
        %eq3A_391 = arith.cmpi eq, %iota3A, %eq3A_390 : vector<16xi32>
        %reduce_sum3A_392 = arith.constant true
        %reduce_sum3A_393 = vector.broadcast %reduce_sum3A_392 : i1 to vector<16xi1>
        %reduce_sum3A_394 = tpu.scan <sum>, %add3A_388 masked %reduce_sum3A_393 : vector<16xf32>, vector<16xi1> -> vector<16xf32>
        %reduce_sum3A_395 = vector.extract %reduce_sum3A_394[15] : f32 from vector<16xf32>
        %broadcast_in_dim3A_396 = vector.broadcast %reduce_sum3A_395 : f32 to vector<16xf32>
        %select_n3A_397 = arith.select %eq3A_391, %broadcast_in_dim3A_396, %select_n3A_323 : vector<16xi1>, vector<16xf32>
        %add3A_398 = arith.constant 5 : i32
        %add3A_399 = arith.addi %mul3A_30, %add3A_398 : i32
        %get3A_400 = arith.index_cast %add3A_399 : i32 to index
        %get3A_401 = arith.constant 0 : index
        %get3A_402 = tpu.vector_load %arg9[%get3A_400, %get3A_401] {strides = array<i32>} : memref<128x128xf32, #tpu.memory_space<vmem>>, vector<16xf32>,
        %get3A_403 = arith.index_cast %add3A_399 : i32 to index
        %get3A_404 = arith.constant 0 : index
        %get3A_405 = tpu.vector_load %arg10[%get3A_403, %get3A_404] {strides = array<i32>} : memref<128x128xf32, #tpu.memory_space<vmem>>, vector<16xf32>,
        %mul3A_406 = arith.mulf %get3A_402, %get3A_405 : vector<16xf32>
        %get3A_407 = arith.index_cast %add3A_399 : i32 to index
        %get3A_408 = arith.constant 16 : index
        %get3A_409 = tpu.vector_load %arg9[%get3A_407, %get3A_408] {strides = array<i32>} : memref<128x128xf32, #tpu.memory_space<vmem>>, vector<16xf32>,
        %get3A_410 = arith.index_cast %add3A_399 : i32 to index
        %get3A_411 = arith.constant 16 : index
        %get3A_412 = tpu.vector_load %arg10[%get3A_410, %get3A_411] {strides = array<i32>} : memref<128x128xf32, #tpu.memory_space<vmem>>, vector<16xf32>,
        %mul3A_413 = arith.mulf %get3A_409, %get3A_412 : vector<16xf32>
        %add3A_414 = arith.addf %mul3A_406, %mul3A_413 : vector<16xf32>
        %get3A_415 = arith.index_cast %add3A_399 : i32 to index
        %get3A_416 = arith.constant 32 : index
        %get3A_417 = tpu.vector_load %arg9[%get3A_415, %get3A_416] {strides = array<i32>} : memref<128x128xf32, #tpu.memory_space<vmem>>, vector<16xf32>,
        %get3A_418 = arith.index_cast %add3A_399 : i32 to index
        %get3A_419 = arith.constant 32 : index
        %get3A_420 = tpu.vector_load %arg10[%get3A_418, %get3A_419] {strides = array<i32>} : memref<128x128xf32, #tpu.memory_space<vmem>>, vector<16xf32>,
        %mul3A_421 = arith.mulf %get3A_417, %get3A_420 : vector<16xf32>
        %add3A_422 = arith.addf %add3A_414, %mul3A_421 : vector<16xf32>
        %get3A_423 = arith.index_cast %add3A_399 : i32 to index
        %get3A_424 = arith.constant 48 : index
        %get3A_425 = tpu.vector_load %arg9[%get3A_423, %get3A_424] {strides = array<i32>} : memref<128x128xf32, #tpu.memory_space<vmem>>, vector<16xf32>,
        %get3A_426 = arith.index_cast %add3A_399 : i32 to index
        %get3A_427 = arith.constant 48 : index
        %get3A_428 = tpu.vector_load %arg10[%get3A_426, %get3A_427] {strides = array<i32>} : memref<128x128xf32, #tpu.memory_space<vmem>>, vector<16xf32>,
        %mul3A_429 = arith.mulf %get3A_425, %get3A_428 : vector<16xf32>
        %add3A_430 = arith.addf %add3A_422, %mul3A_429 : vector<16xf32>
        %get3A_431 = arith.index_cast %add3A_399 : i32 to index
        %get3A_432 = arith.constant 64 : index
        %get3A_433 = tpu.vector_load %arg9[%get3A_431, %get3A_432] {strides = array<i32>} : memref<128x128xf32, #tpu.memory_space<vmem>>, vector<16xf32>,
        %get3A_434 = arith.index_cast %add3A_399 : i32 to index
        %get3A_435 = arith.constant 64 : index
        %get3A_436 = tpu.vector_load %arg10[%get3A_434, %get3A_435] {strides = array<i32>} : memref<128x128xf32, #tpu.memory_space<vmem>>, vector<16xf32>,
        %mul3A_437 = arith.mulf %get3A_433, %get3A_436 : vector<16xf32>
        %add3A_438 = arith.addf %add3A_430, %mul3A_437 : vector<16xf32>
        %get3A_439 = arith.index_cast %add3A_399 : i32 to index
        %get3A_440 = arith.constant 80 : index
        %get3A_441 = tpu.vector_load %arg9[%get3A_439, %get3A_440] {strides = array<i32>} : memref<128x128xf32, #tpu.memory_space<vmem>>, vector<16xf32>,
        %get3A_442 = arith.index_cast %add3A_399 : i32 to index
        %get3A_443 = arith.constant 80 : index
        %get3A_444 = tpu.vector_load %arg10[%get3A_442, %get3A_443] {strides = array<i32>} : memref<128x128xf32, #tpu.memory_space<vmem>>, vector<16xf32>,
        %mul3A_445 = arith.mulf %get3A_441, %get3A_444 : vector<16xf32>
        %add3A_446 = arith.addf %add3A_438, %mul3A_445 : vector<16xf32>
        %get3A_447 = arith.index_cast %add3A_399 : i32 to index
        %get3A_448 = arith.constant 96 : index
        %get3A_449 = tpu.vector_load %arg9[%get3A_447, %get3A_448] {strides = array<i32>} : memref<128x128xf32, #tpu.memory_space<vmem>>, vector<16xf32>,
        %get3A_450 = arith.index_cast %add3A_399 : i32 to index
        %get3A_451 = arith.constant 96 : index
        %get3A_452 = tpu.vector_load %arg10[%get3A_450, %get3A_451] {strides = array<i32>} : memref<128x128xf32, #tpu.memory_space<vmem>>, vector<16xf32>,
        %mul3A_453 = arith.mulf %get3A_449, %get3A_452 : vector<16xf32>
        %add3A_454 = arith.addf %add3A_446, %mul3A_453 : vector<16xf32>
        %get3A_455 = arith.index_cast %add3A_399 : i32 to index
        %get3A_456 = arith.constant 112 : index
        %get3A_457 = tpu.vector_load %arg9[%get3A_455, %get3A_456] {strides = array<i32>} : memref<128x128xf32, #tpu.memory_space<vmem>>, vector<16xf32>,
        %get3A_458 = arith.index_cast %add3A_399 : i32 to index
        %get3A_459 = arith.constant 112 : index
        %get3A_460 = tpu.vector_load %arg10[%get3A_458, %get3A_459] {strides = array<i32>} : memref<128x128xf32, #tpu.memory_space<vmem>>, vector<16xf32>,
        %mul3A_461 = arith.mulf %get3A_457, %get3A_460 : vector<16xf32>
        %add3A_462 = arith.addf %add3A_454, %mul3A_461 : vector<16xf32>
        %eq3A_463 = arith.constant 5 : i32
        %eq3A_464 = vector.broadcast %eq3A_463 : i32 to vector<16xi32>
        %eq3A_465 = arith.cmpi eq, %iota3A, %eq3A_464 : vector<16xi32>
        %reduce_sum3A_466 = arith.constant true
        %reduce_sum3A_467 = vector.broadcast %reduce_sum3A_466 : i1 to vector<16xi1>
        %reduce_sum3A_468 = tpu.scan <sum>, %add3A_462 masked %reduce_sum3A_467 : vector<16xf32>, vector<16xi1> -> vector<16xf32>
        %reduce_sum3A_469 = vector.extract %reduce_sum3A_468[15] : f32 from vector<16xf32>
        %broadcast_in_dim3A_470 = vector.broadcast %reduce_sum3A_469 : f32 to vector<16xf32>
        %select_n3A_471 = arith.select %eq3A_465, %broadcast_in_dim3A_470, %select_n3A_397 : vector<16xi1>, vector<16xf32>
        %add3A_472 = arith.constant 6 : i32
        %add3A_473 = arith.addi %mul3A_30, %add3A_472 : i32
        %get3A_474 = arith.index_cast %add3A_473 : i32 to index
        %get3A_475 = arith.constant 0 : index
        %get3A_476 = tpu.vector_load %arg9[%get3A_474, %get3A_475] {strides = array<i32>} : memref<128x128xf32, #tpu.memory_space<vmem>>, vector<16xf32>,
        %get3A_477 = arith.index_cast %add3A_473 : i32 to index
        %get3A_478 = arith.constant 0 : index
        %get3A_479 = tpu.vector_load %arg10[%get3A_477, %get3A_478] {strides = array<i32>} : memref<128x128xf32, #tpu.memory_space<vmem>>, vector<16xf32>,
        %mul3A_480 = arith.mulf %get3A_476, %get3A_479 : vector<16xf32>
        %get3A_481 = arith.index_cast %add3A_473 : i32 to index
        %get3A_482 = arith.constant 16 : index
        %get3A_483 = tpu.vector_load %arg9[%get3A_481, %get3A_482] {strides = array<i32>} : memref<128x128xf32, #tpu.memory_space<vmem>>, vector<16xf32>,
        %get3A_484 = arith.index_cast %add3A_473 : i32 to index
        %get3A_485 = arith.constant 16 : index
        %get3A_486 = tpu.vector_load %arg10[%get3A_484, %get3A_485] {strides = array<i32>} : memref<128x128xf32, #tpu.memory_space<vmem>>, vector<16xf32>,
        %mul3A_487 = arith.mulf %get3A_483, %get3A_486 : vector<16xf32>
        %add3A_488 = arith.addf %mul3A_480, %mul3A_487 : vector<16xf32>
        %get3A_489 = arith.index_cast %add3A_473 : i32 to index
        %get3A_490 = arith.constant 32 : index
        %get3A_491 = tpu.vector_load %arg9[%get3A_489, %get3A_490] {strides = array<i32>} : memref<128x128xf32, #tpu.memory_space<vmem>>, vector<16xf32>,
        %get3A_492 = arith.index_cast %add3A_473 : i32 to index
        %get3A_493 = arith.constant 32 : index
        %get3A_494 = tpu.vector_load %arg10[%get3A_492, %get3A_493] {strides = array<i32>} : memref<128x128xf32, #tpu.memory_space<vmem>>, vector<16xf32>,
        %mul3A_495 = arith.mulf %get3A_491, %get3A_494 : vector<16xf32>
        %add3A_496 = arith.addf %add3A_488, %mul3A_495 : vector<16xf32>
        %get3A_497 = arith.index_cast %add3A_473 : i32 to index
        %get3A_498 = arith.constant 48 : index
        %get3A_499 = tpu.vector_load %arg9[%get3A_497, %get3A_498] {strides = array<i32>} : memref<128x128xf32, #tpu.memory_space<vmem>>, vector<16xf32>,
        %get3A_500 = arith.index_cast %add3A_473 : i32 to index
        %get3A_501 = arith.constant 48 : index
        %get3A_502 = tpu.vector_load %arg10[%get3A_500, %get3A_501] {strides = array<i32>} : memref<128x128xf32, #tpu.memory_space<vmem>>, vector<16xf32>,
        %mul3A_503 = arith.mulf %get3A_499, %get3A_502 : vector<16xf32>
        %add3A_504 = arith.addf %add3A_496, %mul3A_503 : vector<16xf32>
        %get3A_505 = arith.index_cast %add3A_473 : i32 to index
        %get3A_506 = arith.constant 64 : index
        %get3A_507 = tpu.vector_load %arg9[%get3A_505, %get3A_506] {strides = array<i32>} : memref<128x128xf32, #tpu.memory_space<vmem>>, vector<16xf32>,
        %get3A_508 = arith.index_cast %add3A_473 : i32 to index
        %get3A_509 = arith.constant 64 : index
        %get3A_510 = tpu.vector_load %arg10[%get3A_508, %get3A_509] {strides = array<i32>} : memref<128x128xf32, #tpu.memory_space<vmem>>, vector<16xf32>,
        %mul3A_511 = arith.mulf %get3A_507, %get3A_510 : vector<16xf32>
        %add3A_512 = arith.addf %add3A_504, %mul3A_511 : vector<16xf32>
        %get3A_513 = arith.index_cast %add3A_473 : i32 to index
        %get3A_514 = arith.constant 80 : index
        %get3A_515 = tpu.vector_load %arg9[%get3A_513, %get3A_514] {strides = array<i32>} : memref<128x128xf32, #tpu.memory_space<vmem>>, vector<16xf32>,
        %get3A_516 = arith.index_cast %add3A_473 : i32 to index
        %get3A_517 = arith.constant 80 : index
        %get3A_518 = tpu.vector_load %arg10[%get3A_516, %get3A_517] {strides = array<i32>} : memref<128x128xf32, #tpu.memory_space<vmem>>, vector<16xf32>,
        %mul3A_519 = arith.mulf %get3A_515, %get3A_518 : vector<16xf32>
        %add3A_520 = arith.addf %add3A_512, %mul3A_519 : vector<16xf32>
        %get3A_521 = arith.index_cast %add3A_473 : i32 to index
        %get3A_522 = arith.constant 96 : index
        %get3A_523 = tpu.vector_load %arg9[%get3A_521, %get3A_522] {strides = array<i32>} : memref<128x128xf32, #tpu.memory_space<vmem>>, vector<16xf32>,
        %get3A_524 = arith.index_cast %add3A_473 : i32 to index
        %get3A_525 = arith.constant 96 : index
        %get3A_526 = tpu.vector_load %arg10[%get3A_524, %get3A_525] {strides = array<i32>} : memref<128x128xf32, #tpu.memory_space<vmem>>, vector<16xf32>,
        %mul3A_527 = arith.mulf %get3A_523, %get3A_526 : vector<16xf32>
        %add3A_528 = arith.addf %add3A_520, %mul3A_527 : vector<16xf32>
        %get3A_529 = arith.index_cast %add3A_473 : i32 to index
        %get3A_530 = arith.constant 112 : index
        %get3A_531 = tpu.vector_load %arg9[%get3A_529, %get3A_530] {strides = array<i32>} : memref<128x128xf32, #tpu.memory_space<vmem>>, vector<16xf32>,
        %get3A_532 = arith.index_cast %add3A_473 : i32 to index
        %get3A_533 = arith.constant 112 : index
        %get3A_534 = tpu.vector_load %arg10[%get3A_532, %get3A_533] {strides = array<i32>} : memref<128x128xf32, #tpu.memory_space<vmem>>, vector<16xf32>,
        %mul3A_535 = arith.mulf %get3A_531, %get3A_534 : vector<16xf32>
        %add3A_536 = arith.addf %add3A_528, %mul3A_535 : vector<16xf32>
        %eq3A_537 = arith.constant 6 : i32
        %eq3A_538 = vector.broadcast %eq3A_537 : i32 to vector<16xi32>
        %eq3A_539 = arith.cmpi eq, %iota3A, %eq3A_538 : vector<16xi32>
        %reduce_sum3A_540 = arith.constant true
        %reduce_sum3A_541 = vector.broadcast %reduce_sum3A_540 : i1 to vector<16xi1>
        %reduce_sum3A_542 = tpu.scan <sum>, %add3A_536 masked %reduce_sum3A_541 : vector<16xf32>, vector<16xi1> -> vector<16xf32>
        %reduce_sum3A_543 = vector.extract %reduce_sum3A_542[15] : f32 from vector<16xf32>
        %broadcast_in_dim3A_544 = vector.broadcast %reduce_sum3A_543 : f32 to vector<16xf32>
        %select_n3A_545 = arith.select %eq3A_539, %broadcast_in_dim3A_544, %select_n3A_471 : vector<16xi1>, vector<16xf32>
        %add3A_546 = arith.constant 7 : i32
        %add3A_547 = arith.addi %mul3A_30, %add3A_546 : i32
        %get3A_548 = arith.index_cast %add3A_547 : i32 to index
        %get3A_549 = arith.constant 0 : index
        %get3A_550 = tpu.vector_load %arg9[%get3A_548, %get3A_549] {strides = array<i32>} : memref<128x128xf32, #tpu.memory_space<vmem>>, vector<16xf32>,
        %get3A_551 = arith.index_cast %add3A_547 : i32 to index
        %get3A_552 = arith.constant 0 : index
        %get3A_553 = tpu.vector_load %arg10[%get3A_551, %get3A_552] {strides = array<i32>} : memref<128x128xf32, #tpu.memory_space<vmem>>, vector<16xf32>,
        %mul3A_554 = arith.mulf %get3A_550, %get3A_553 : vector<16xf32>
        %get3A_555 = arith.index_cast %add3A_547 : i32 to index
        %get3A_556 = arith.constant 16 : index
        %get3A_557 = tpu.vector_load %arg9[%get3A_555, %get3A_556] {strides = array<i32>} : memref<128x128xf32, #tpu.memory_space<vmem>>, vector<16xf32>,
        %get3A_558 = arith.index_cast %add3A_547 : i32 to index
        %get3A_559 = arith.constant 16 : index
        %get3A_560 = tpu.vector_load %arg10[%get3A_558, %get3A_559] {strides = array<i32>} : memref<128x128xf32, #tpu.memory_space<vmem>>, vector<16xf32>,
        %mul3A_561 = arith.mulf %get3A_557, %get3A_560 : vector<16xf32>
        %add3A_562 = arith.addf %mul3A_554, %mul3A_561 : vector<16xf32>
        %get3A_563 = arith.index_cast %add3A_547 : i32 to index
        %get3A_564 = arith.constant 32 : index
        %get3A_565 = tpu.vector_load %arg9[%get3A_563, %get3A_564] {strides = array<i32>} : memref<128x128xf32, #tpu.memory_space<vmem>>, vector<16xf32>,
        %get3A_566 = arith.index_cast %add3A_547 : i32 to index
        %get3A_567 = arith.constant 32 : index
        %get3A_568 = tpu.vector_load %arg10[%get3A_566, %get3A_567] {strides = array<i32>} : memref<128x128xf32, #tpu.memory_space<vmem>>, vector<16xf32>,
        %mul3A_569 = arith.mulf %get3A_565, %get3A_568 : vector<16xf32>
        %add3A_570 = arith.addf %add3A_562, %mul3A_569 : vector<16xf32>
        %get3A_571 = arith.index_cast %add3A_547 : i32 to index
        %get3A_572 = arith.constant 48 : index
        %get3A_573 = tpu.vector_load %arg9[%get3A_571, %get3A_572] {strides = array<i32>} : memref<128x128xf32, #tpu.memory_space<vmem>>, vector<16xf32>,
        %get3A_574 = arith.index_cast %add3A_547 : i32 to index
        %get3A_575 = arith.constant 48 : index
        %get3A_576 = tpu.vector_load %arg10[%get3A_574, %get3A_575] {strides = array<i32>} : memref<128x128xf32, #tpu.memory_space<vmem>>, vector<16xf32>,
        %mul3A_577 = arith.mulf %get3A_573, %get3A_576 : vector<16xf32>
        %add3A_578 = arith.addf %add3A_570, %mul3A_577 : vector<16xf32>
        %get3A_579 = arith.index_cast %add3A_547 : i32 to index
        %get3A_580 = arith.constant 64 : index
        %get3A_581 = tpu.vector_load %arg9[%get3A_579, %get3A_580] {strides = array<i32>} : memref<128x128xf32, #tpu.memory_space<vmem>>, vector<16xf32>,
        %get3A_582 = arith.index_cast %add3A_547 : i32 to index
        %get3A_583 = arith.constant 64 : index
        %get3A_584 = tpu.vector_load %arg10[%get3A_582, %get3A_583] {strides = array<i32>} : memref<128x128xf32, #tpu.memory_space<vmem>>, vector<16xf32>,
        %mul3A_585 = arith.mulf %get3A_581, %get3A_584 : vector<16xf32>
        %add3A_586 = arith.addf %add3A_578, %mul3A_585 : vector<16xf32>
        %get3A_587 = arith.index_cast %add3A_547 : i32 to index
        %get3A_588 = arith.constant 80 : index
        %get3A_589 = tpu.vector_load %arg9[%get3A_587, %get3A_588] {strides = array<i32>} : memref<128x128xf32, #tpu.memory_space<vmem>>, vector<16xf32>,
        %get3A_590 = arith.index_cast %add3A_547 : i32 to index
        %get3A_591 = arith.constant 80 : index
        %get3A_592 = tpu.vector_load %arg10[%get3A_590, %get3A_591] {strides = array<i32>} : memref<128x128xf32, #tpu.memory_space<vmem>>, vector<16xf32>,
        %mul3A_593 = arith.mulf %get3A_589, %get3A_592 : vector<16xf32>
        %add3A_594 = arith.addf %add3A_586, %mul3A_593 : vector<16xf32>
        %get3A_595 = arith.index_cast %add3A_547 : i32 to index
        %get3A_596 = arith.constant 96 : index
        %get3A_597 = tpu.vector_load %arg9[%get3A_595, %get3A_596] {strides = array<i32>} : memref<128x128xf32, #tpu.memory_space<vmem>>, vector<16xf32>,
        %get3A_598 = arith.index_cast %add3A_547 : i32 to index
        %get3A_599 = arith.constant 96 : index
        %get3A_600 = tpu.vector_load %arg10[%get3A_598, %get3A_599] {strides = array<i32>} : memref<128x128xf32, #tpu.memory_space<vmem>>, vector<16xf32>,
        %mul3A_601 = arith.mulf %get3A_597, %get3A_600 : vector<16xf32>
        %add3A_602 = arith.addf %add3A_594, %mul3A_601 : vector<16xf32>
        %get3A_603 = arith.index_cast %add3A_547 : i32 to index
        %get3A_604 = arith.constant 112 : index
        %get3A_605 = tpu.vector_load %arg9[%get3A_603, %get3A_604] {strides = array<i32>} : memref<128x128xf32, #tpu.memory_space<vmem>>, vector<16xf32>,
        %get3A_606 = arith.index_cast %add3A_547 : i32 to index
        %get3A_607 = arith.constant 112 : index
        %get3A_608 = tpu.vector_load %arg10[%get3A_606, %get3A_607] {strides = array<i32>} : memref<128x128xf32, #tpu.memory_space<vmem>>, vector<16xf32>,
        %mul3A_609 = arith.mulf %get3A_605, %get3A_608 : vector<16xf32>
        %add3A_610 = arith.addf %add3A_602, %mul3A_609 : vector<16xf32>
        %eq3A_611 = arith.constant 7 : i32
        %eq3A_612 = vector.broadcast %eq3A_611 : i32 to vector<16xi32>
        %eq3A_613 = arith.cmpi eq, %iota3A, %eq3A_612 : vector<16xi32>
        %reduce_sum3A_614 = arith.constant true
        %reduce_sum3A_615 = vector.broadcast %reduce_sum3A_614 : i1 to vector<16xi1>
        %reduce_sum3A_616 = tpu.scan <sum>, %add3A_610 masked %reduce_sum3A_615 : vector<16xf32>, vector<16xi1> -> vector<16xf32>
        %reduce_sum3A_617 = vector.extract %reduce_sum3A_616[15] : f32 from vector<16xf32>
        %broadcast_in_dim3A_618 = vector.broadcast %reduce_sum3A_617 : f32 to vector<16xf32>
        %select_n3A_619 = arith.select %eq3A_613, %broadcast_in_dim3A_618, %select_n3A_545 : vector<16xi1>, vector<16xf32>
        %add3A_620 = arith.constant 8 : i32
        %add3A_621 = arith.addi %mul3A_30, %add3A_620 : i32
        %get3A_622 = arith.index_cast %add3A_621 : i32 to index
        %get3A_623 = arith.constant 0 : index
        %get3A_624 = tpu.vector_load %arg9[%get3A_622, %get3A_623] {strides = array<i32>} : memref<128x128xf32, #tpu.memory_space<vmem>>, vector<16xf32>,
        %get3A_625 = arith.index_cast %add3A_621 : i32 to index
        %get3A_626 = arith.constant 0 : index
        %get3A_627 = tpu.vector_load %arg10[%get3A_625, %get3A_626] {strides = array<i32>} : memref<128x128xf32, #tpu.memory_space<vmem>>, vector<16xf32>,
        %mul3A_628 = arith.mulf %get3A_624, %get3A_627 : vector<16xf32>
        %get3A_629 = arith.index_cast %add3A_621 : i32 to index
        %get3A_630 = arith.constant 16 : index
        %get3A_631 = tpu.vector_load %arg9[%get3A_629, %get3A_630] {strides = array<i32>} : memref<128x128xf32, #tpu.memory_space<vmem>>, vector<16xf32>,
        %get3A_632 = arith.index_cast %add3A_621 : i32 to index
        %get3A_633 = arith.constant 16 : index
        %get3A_634 = tpu.vector_load %arg10[%get3A_632, %get3A_633] {strides = array<i32>} : memref<128x128xf32, #tpu.memory_space<vmem>>, vector<16xf32>,
        %mul3A_635 = arith.mulf %get3A_631, %get3A_634 : vector<16xf32>
        %add3A_636 = arith.addf %mul3A_628, %mul3A_635 : vector<16xf32>
        %get3A_637 = arith.index_cast %add3A_621 : i32 to index
        %get3A_638 = arith.constant 32 : index
        %get3A_639 = tpu.vector_load %arg9[%get3A_637, %get3A_638] {strides = array<i32>} : memref<128x128xf32, #tpu.memory_space<vmem>>, vector<16xf32>,
        %get3A_640 = arith.index_cast %add3A_621 : i32 to index
        %get3A_641 = arith.constant 32 : index
        %get3A_642 = tpu.vector_load %arg10[%get3A_640, %get3A_641] {strides = array<i32>} : memref<128x128xf32, #tpu.memory_space<vmem>>, vector<16xf32>,
        %mul3A_643 = arith.mulf %get3A_639, %get3A_642 : vector<16xf32>
        %add3A_644 = arith.addf %add3A_636, %mul3A_643 : vector<16xf32>
        %get3A_645 = arith.index_cast %add3A_621 : i32 to index
        %get3A_646 = arith.constant 48 : index
        %get3A_647 = tpu.vector_load %arg9[%get3A_645, %get3A_646] {strides = array<i32>} : memref<128x128xf32, #tpu.memory_space<vmem>>, vector<16xf32>,
        %get3A_648 = arith.index_cast %add3A_621 : i32 to index
        %get3A_649 = arith.constant 48 : index
        %get3A_650 = tpu.vector_load %arg10[%get3A_648, %get3A_649] {strides = array<i32>} : memref<128x128xf32, #tpu.memory_space<vmem>>, vector<16xf32>,
        %mul3A_651 = arith.mulf %get3A_647, %get3A_650 : vector<16xf32>
        %add3A_652 = arith.addf %add3A_644, %mul3A_651 : vector<16xf32>
        %get3A_653 = arith.index_cast %add3A_621 : i32 to index
        %get3A_654 = arith.constant 64 : index
        %get3A_655 = tpu.vector_load %arg9[%get3A_653, %get3A_654] {strides = array<i32>} : memref<128x128xf32, #tpu.memory_space<vmem>>, vector<16xf32>,
        %get3A_656 = arith.index_cast %add3A_621 : i32 to index
        %get3A_657 = arith.constant 64 : index
        %get3A_658 = tpu.vector_load %arg10[%get3A_656, %get3A_657] {strides = array<i32>} : memref<128x128xf32, #tpu.memory_space<vmem>>, vector<16xf32>,
        %mul3A_659 = arith.mulf %get3A_655, %get3A_658 : vector<16xf32>
        %add3A_660 = arith.addf %add3A_652, %mul3A_659 : vector<16xf32>
        %get3A_661 = arith.index_cast %add3A_621 : i32 to index
        %get3A_662 = arith.constant 80 : index
        %get3A_663 = tpu.vector_load %arg9[%get3A_661, %get3A_662] {strides = array<i32>} : memref<128x128xf32, #tpu.memory_space<vmem>>, vector<16xf32>,
        %get3A_664 = arith.index_cast %add3A_621 : i32 to index
        %get3A_665 = arith.constant 80 : index
        %get3A_666 = tpu.vector_load %arg10[%get3A_664, %get3A_665] {strides = array<i32>} : memref<128x128xf32, #tpu.memory_space<vmem>>, vector<16xf32>,
        %mul3A_667 = arith.mulf %get3A_663, %get3A_666 : vector<16xf32>
        %add3A_668 = arith.addf %add3A_660, %mul3A_667 : vector<16xf32>
        %get3A_669 = arith.index_cast %add3A_621 : i32 to index
        %get3A_670 = arith.constant 96 : index
        %get3A_671 = tpu.vector_load %arg9[%get3A_669, %get3A_670] {strides = array<i32>} : memref<128x128xf32, #tpu.memory_space<vmem>>, vector<16xf32>,
        %get3A_672 = arith.index_cast %add3A_621 : i32 to index
        %get3A_673 = arith.constant 96 : index
        %get3A_674 = tpu.vector_load %arg10[%get3A_672, %get3A_673] {strides = array<i32>} : memref<128x128xf32, #tpu.memory_space<vmem>>, vector<16xf32>,
        %mul3A_675 = arith.mulf %get3A_671, %get3A_674 : vector<16xf32>
        %add3A_676 = arith.addf %add3A_668, %mul3A_675 : vector<16xf32>
        %get3A_677 = arith.index_cast %add3A_621 : i32 to index
        %get3A_678 = arith.constant 112 : index
        %get3A_679 = tpu.vector_load %arg9[%get3A_677, %get3A_678] {strides = array<i32>} : memref<128x128xf32, #tpu.memory_space<vmem>>, vector<16xf32>,
        %get3A_680 = arith.index_cast %add3A_621 : i32 to index
        %get3A_681 = arith.constant 112 : index
        %get3A_682 = tpu.vector_load %arg10[%get3A_680, %get3A_681] {strides = array<i32>} : memref<128x128xf32, #tpu.memory_space<vmem>>, vector<16xf32>,
        %mul3A_683 = arith.mulf %get3A_679, %get3A_682 : vector<16xf32>
        %add3A_684 = arith.addf %add3A_676, %mul3A_683 : vector<16xf32>
        %eq3A_685 = arith.constant 8 : i32
        %eq3A_686 = vector.broadcast %eq3A_685 : i32 to vector<16xi32>
        %eq3A_687 = arith.cmpi eq, %iota3A, %eq3A_686 : vector<16xi32>
        %reduce_sum3A_688 = arith.constant true
        %reduce_sum3A_689 = vector.broadcast %reduce_sum3A_688 : i1 to vector<16xi1>
        %reduce_sum3A_690 = tpu.scan <sum>, %add3A_684 masked %reduce_sum3A_689 : vector<16xf32>, vector<16xi1> -> vector<16xf32>
        %reduce_sum3A_691 = vector.extract %reduce_sum3A_690[15] : f32 from vector<16xf32>
        %broadcast_in_dim3A_692 = vector.broadcast %reduce_sum3A_691 : f32 to vector<16xf32>
        %select_n3A_693 = arith.select %eq3A_687, %broadcast_in_dim3A_692, %select_n3A_619 : vector<16xi1>, vector<16xf32>
        %add3A_694 = arith.constant 9 : i32
        %add3A_695 = arith.addi %mul3A_30, %add3A_694 : i32
        %get3A_696 = arith.index_cast %add3A_695 : i32 to index
        %get3A_697 = arith.constant 0 : index
        %get3A_698 = tpu.vector_load %arg9[%get3A_696, %get3A_697] {strides = array<i32>} : memref<128x128xf32, #tpu.memory_space<vmem>>, vector<16xf32>,
        %get3A_699 = arith.index_cast %add3A_695 : i32 to index
        %get3A_700 = arith.constant 0 : index
        %get3A_701 = tpu.vector_load %arg10[%get3A_699, %get3A_700] {strides = array<i32>} : memref<128x128xf32, #tpu.memory_space<vmem>>, vector<16xf32>,
        %mul3A_702 = arith.mulf %get3A_698, %get3A_701 : vector<16xf32>
        %get3A_703 = arith.index_cast %add3A_695 : i32 to index
        %get3A_704 = arith.constant 16 : index
        %get3A_705 = tpu.vector_load %arg9[%get3A_703, %get3A_704] {strides = array<i32>} : memref<128x128xf32, #tpu.memory_space<vmem>>, vector<16xf32>,
        %get3A_706 = arith.index_cast %add3A_695 : i32 to index
        %get3A_707 = arith.constant 16 : index
        %get3A_708 = tpu.vector_load %arg10[%get3A_706, %get3A_707] {strides = array<i32>} : memref<128x128xf32, #tpu.memory_space<vmem>>, vector<16xf32>,
        %mul3A_709 = arith.mulf %get3A_705, %get3A_708 : vector<16xf32>
        %add3A_710 = arith.addf %mul3A_702, %mul3A_709 : vector<16xf32>
        %get3A_711 = arith.index_cast %add3A_695 : i32 to index
        %get3A_712 = arith.constant 32 : index
        %get3A_713 = tpu.vector_load %arg9[%get3A_711, %get3A_712] {strides = array<i32>} : memref<128x128xf32, #tpu.memory_space<vmem>>, vector<16xf32>,
        %get3A_714 = arith.index_cast %add3A_695 : i32 to index
        %get3A_715 = arith.constant 32 : index
        %get3A_716 = tpu.vector_load %arg10[%get3A_714, %get3A_715] {strides = array<i32>} : memref<128x128xf32, #tpu.memory_space<vmem>>, vector<16xf32>,
        %mul3A_717 = arith.mulf %get3A_713, %get3A_716 : vector<16xf32>
        %add3A_718 = arith.addf %add3A_710, %mul3A_717 : vector<16xf32>
        %get3A_719 = arith.index_cast %add3A_695 : i32 to index
        %get3A_720 = arith.constant 48 : index
        %get3A_721 = tpu.vector_load %arg9[%get3A_719, %get3A_720] {strides = array<i32>} : memref<128x128xf32, #tpu.memory_space<vmem>>, vector<16xf32>,
        %get3A_722 = arith.index_cast %add3A_695 : i32 to index
        %get3A_723 = arith.constant 48 : index
        %get3A_724 = tpu.vector_load %arg10[%get3A_722, %get3A_723] {strides = array<i32>} : memref<128x128xf32, #tpu.memory_space<vmem>>, vector<16xf32>,
        %mul3A_725 = arith.mulf %get3A_721, %get3A_724 : vector<16xf32>
        %add3A_726 = arith.addf %add3A_718, %mul3A_725 : vector<16xf32>
        %get3A_727 = arith.index_cast %add3A_695 : i32 to index
        %get3A_728 = arith.constant 64 : index
        %get3A_729 = tpu.vector_load %arg9[%get3A_727, %get3A_728] {strides = array<i32>} : memref<128x128xf32, #tpu.memory_space<vmem>>, vector<16xf32>,
        %get3A_730 = arith.index_cast %add3A_695 : i32 to index
        %get3A_731 = arith.constant 64 : index
        %get3A_732 = tpu.vector_load %arg10[%get3A_730, %get3A_731] {strides = array<i32>} : memref<128x128xf32, #tpu.memory_space<vmem>>, vector<16xf32>,
        %mul3A_733 = arith.mulf %get3A_729, %get3A_732 : vector<16xf32>
        %add3A_734 = arith.addf %add3A_726, %mul3A_733 : vector<16xf32>
        %get3A_735 = arith.index_cast %add3A_695 : i32 to index
        %get3A_736 = arith.constant 80 : index
        %get3A_737 = tpu.vector_load %arg9[%get3A_735, %get3A_736] {strides = array<i32>} : memref<128x128xf32, #tpu.memory_space<vmem>>, vector<16xf32>,
        %get3A_738 = arith.index_cast %add3A_695 : i32 to index
        %get3A_739 = arith.constant 80 : index
        %get3A_740 = tpu.vector_load %arg10[%get3A_738, %get3A_739] {strides = array<i32>} : memref<128x128xf32, #tpu.memory_space<vmem>>, vector<16xf32>,
        %mul3A_741 = arith.mulf %get3A_737, %get3A_740 : vector<16xf32>
        %add3A_742 = arith.addf %add3A_734, %mul3A_741 : vector<16xf32>
        %get3A_743 = arith.index_cast %add3A_695 : i32 to index
        %get3A_744 = arith.constant 96 : index
        %get3A_745 = tpu.vector_load %arg9[%get3A_743, %get3A_744] {strides = array<i32>} : memref<128x128xf32, #tpu.memory_space<vmem>>, vector<16xf32>,
        %get3A_746 = arith.index_cast %add3A_695 : i32 to index
        %get3A_747 = arith.constant 96 : index
        %get3A_748 = tpu.vector_load %arg10[%get3A_746, %get3A_747] {strides = array<i32>} : memref<128x128xf32, #tpu.memory_space<vmem>>, vector<16xf32>,
        %mul3A_749 = arith.mulf %get3A_745, %get3A_748 : vector<16xf32>
        %add3A_750 = arith.addf %add3A_742, %mul3A_749 : vector<16xf32>
        %get3A_751 = arith.index_cast %add3A_695 : i32 to index
        %get3A_752 = arith.constant 112 : index
        %get3A_753 = tpu.vector_load %arg9[%get3A_751, %get3A_752] {strides = array<i32>} : memref<128x128xf32, #tpu.memory_space<vmem>>, vector<16xf32>,
        %get3A_754 = arith.index_cast %add3A_695 : i32 to index
        %get3A_755 = arith.constant 112 : index
        %get3A_756 = tpu.vector_load %arg10[%get3A_754, %get3A_755] {strides = array<i32>} : memref<128x128xf32, #tpu.memory_space<vmem>>, vector<16xf32>,
        %mul3A_757 = arith.mulf %get3A_753, %get3A_756 : vector<16xf32>
        %add3A_758 = arith.addf %add3A_750, %mul3A_757 : vector<16xf32>
        %eq3A_759 = arith.constant 9 : i32
        %eq3A_760 = vector.broadcast %eq3A_759 : i32 to vector<16xi32>
        %eq3A_761 = arith.cmpi eq, %iota3A, %eq3A_760 : vector<16xi32>
        %reduce_sum3A_762 = arith.constant true
        %reduce_sum3A_763 = vector.broadcast %reduce_sum3A_762 : i1 to vector<16xi1>
        %reduce_sum3A_764 = tpu.scan <sum>, %add3A_758 masked %reduce_sum3A_763 : vector<16xf32>, vector<16xi1> -> vector<16xf32>
        %reduce_sum3A_765 = vector.extract %reduce_sum3A_764[15] : f32 from vector<16xf32>
        %broadcast_in_dim3A_766 = vector.broadcast %reduce_sum3A_765 : f32 to vector<16xf32>
        %select_n3A_767 = arith.select %eq3A_761, %broadcast_in_dim3A_766, %select_n3A_693 : vector<16xi1>, vector<16xf32>
        %add3A_768 = arith.constant 10 : i32
        %add3A_769 = arith.addi %mul3A_30, %add3A_768 : i32
        %get3A_770 = arith.index_cast %add3A_769 : i32 to index
        %get3A_771 = arith.constant 0 : index
        %get3A_772 = tpu.vector_load %arg9[%get3A_770, %get3A_771] {strides = array<i32>} : memref<128x128xf32, #tpu.memory_space<vmem>>, vector<16xf32>,
        %get3A_773 = arith.index_cast %add3A_769 : i32 to index
        %get3A_774 = arith.constant 0 : index
        %get3A_775 = tpu.vector_load %arg10[%get3A_773, %get3A_774] {strides = array<i32>} : memref<128x128xf32, #tpu.memory_space<vmem>>, vector<16xf32>,
        %mul3A_776 = arith.mulf %get3A_772, %get3A_775 : vector<16xf32>
        %get3A_777 = arith.index_cast %add3A_769 : i32 to index
        %get3A_778 = arith.constant 16 : index
        %get3A_779 = tpu.vector_load %arg9[%get3A_777, %get3A_778] {strides = array<i32>} : memref<128x128xf32, #tpu.memory_space<vmem>>, vector<16xf32>,
        %get3A_780 = arith.index_cast %add3A_769 : i32 to index
        %get3A_781 = arith.constant 16 : index
        %get3A_782 = tpu.vector_load %arg10[%get3A_780, %get3A_781] {strides = array<i32>} : memref<128x128xf32, #tpu.memory_space<vmem>>, vector<16xf32>,
        %mul3A_783 = arith.mulf %get3A_779, %get3A_782 : vector<16xf32>
        %add3A_784 = arith.addf %mul3A_776, %mul3A_783 : vector<16xf32>
        %get3A_785 = arith.index_cast %add3A_769 : i32 to index
        %get3A_786 = arith.constant 32 : index
        %get3A_787 = tpu.vector_load %arg9[%get3A_785, %get3A_786] {strides = array<i32>} : memref<128x128xf32, #tpu.memory_space<vmem>>, vector<16xf32>,
        %get3A_788 = arith.index_cast %add3A_769 : i32 to index
        %get3A_789 = arith.constant 32 : index
        %get3A_790 = tpu.vector_load %arg10[%get3A_788, %get3A_789] {strides = array<i32>} : memref<128x128xf32, #tpu.memory_space<vmem>>, vector<16xf32>,
        %mul3A_791 = arith.mulf %get3A_787, %get3A_790 : vector<16xf32>
        %add3A_792 = arith.addf %add3A_784, %mul3A_791 : vector<16xf32>
        %get3A_793 = arith.index_cast %add3A_769 : i32 to index
        %get3A_794 = arith.constant 48 : index
        %get3A_795 = tpu.vector_load %arg9[%get3A_793, %get3A_794] {strides = array<i32>} : memref<128x128xf32, #tpu.memory_space<vmem>>, vector<16xf32>,
        %get3A_796 = arith.index_cast %add3A_769 : i32 to index
        %get3A_797 = arith.constant 48 : index
        %get3A_798 = tpu.vector_load %arg10[%get3A_796, %get3A_797] {strides = array<i32>} : memref<128x128xf32, #tpu.memory_space<vmem>>, vector<16xf32>,
        %mul3A_799 = arith.mulf %get3A_795, %get3A_798 : vector<16xf32>
        %add3A_800 = arith.addf %add3A_792, %mul3A_799 : vector<16xf32>
        %get3A_801 = arith.index_cast %add3A_769 : i32 to index
        %get3A_802 = arith.constant 64 : index
        %get3A_803 = tpu.vector_load %arg9[%get3A_801, %get3A_802] {strides = array<i32>} : memref<128x128xf32, #tpu.memory_space<vmem>>, vector<16xf32>,
        %get3A_804 = arith.index_cast %add3A_769 : i32 to index
        %get3A_805 = arith.constant 64 : index
        %get3A_806 = tpu.vector_load %arg10[%get3A_804, %get3A_805] {strides = array<i32>} : memref<128x128xf32, #tpu.memory_space<vmem>>, vector<16xf32>,
        %mul3A_807 = arith.mulf %get3A_803, %get3A_806 : vector<16xf32>
        %add3A_808 = arith.addf %add3A_800, %mul3A_807 : vector<16xf32>
        %get3A_809 = arith.index_cast %add3A_769 : i32 to index
        %get3A_810 = arith.constant 80 : index
        %get3A_811 = tpu.vector_load %arg9[%get3A_809, %get3A_810] {strides = array<i32>} : memref<128x128xf32, #tpu.memory_space<vmem>>, vector<16xf32>,
        %get3A_812 = arith.index_cast %add3A_769 : i32 to index
        %get3A_813 = arith.constant 80 : index
        %get3A_814 = tpu.vector_load %arg10[%get3A_812, %get3A_813] {strides = array<i32>} : memref<128x128xf32, #tpu.memory_space<vmem>>, vector<16xf32>,
        %mul3A_815 = arith.mulf %get3A_811, %get3A_814 : vector<16xf32>
        %add3A_816 = arith.addf %add3A_808, %mul3A_815 : vector<16xf32>
        %get3A_817 = arith.index_cast %add3A_769 : i32 to index
        %get3A_818 = arith.constant 96 : index
        %get3A_819 = tpu.vector_load %arg9[%get3A_817, %get3A_818] {strides = array<i32>} : memref<128x128xf32, #tpu.memory_space<vmem>>, vector<16xf32>,
        %get3A_820 = arith.index_cast %add3A_769 : i32 to index
        %get3A_821 = arith.constant 96 : index
        %get3A_822 = tpu.vector_load %arg10[%get3A_820, %get3A_821] {strides = array<i32>} : memref<128x128xf32, #tpu.memory_space<vmem>>, vector<16xf32>,
        %mul3A_823 = arith.mulf %get3A_819, %get3A_822 : vector<16xf32>
        %add3A_824 = arith.addf %add3A_816, %mul3A_823 : vector<16xf32>
        %get3A_825 = arith.index_cast %add3A_769 : i32 to index
        %get3A_826 = arith.constant 112 : index
        %get3A_827 = tpu.vector_load %arg9[%get3A_825, %get3A_826] {strides = array<i32>} : memref<128x128xf32, #tpu.memory_space<vmem>>, vector<16xf32>,
        %get3A_828 = arith.index_cast %add3A_769 : i32 to index
        %get3A_829 = arith.constant 112 : index
        %get3A_830 = tpu.vector_load %arg10[%get3A_828, %get3A_829] {strides = array<i32>} : memref<128x128xf32, #tpu.memory_space<vmem>>, vector<16xf32>,
        %mul3A_831 = arith.mulf %get3A_827, %get3A_830 : vector<16xf32>
        %add3A_832 = arith.addf %add3A_824, %mul3A_831 : vector<16xf32>
        %eq3A_833 = arith.constant 10 : i32
        %eq3A_834 = vector.broadcast %eq3A_833 : i32 to vector<16xi32>
        %eq3A_835 = arith.cmpi eq, %iota3A, %eq3A_834 : vector<16xi32>
        %reduce_sum3A_836 = arith.constant true
        %reduce_sum3A_837 = vector.broadcast %reduce_sum3A_836 : i1 to vector<16xi1>
        %reduce_sum3A_838 = tpu.scan <sum>, %add3A_832 masked %reduce_sum3A_837 : vector<16xf32>, vector<16xi1> -> vector<16xf32>
        %reduce_sum3A_839 = vector.extract %reduce_sum3A_838[15] : f32 from vector<16xf32>
        %broadcast_in_dim3A_840 = vector.broadcast %reduce_sum3A_839 : f32 to vector<16xf32>
        %select_n3A_841 = arith.select %eq3A_835, %broadcast_in_dim3A_840, %select_n3A_767 : vector<16xi1>, vector<16xf32>
        %add3A_842 = arith.constant 11 : i32
        %add3A_843 = arith.addi %mul3A_30, %add3A_842 : i32
        %get3A_844 = arith.index_cast %add3A_843 : i32 to index
        %get3A_845 = arith.constant 0 : index
        %get3A_846 = tpu.vector_load %arg9[%get3A_844, %get3A_845] {strides = array<i32>} : memref<128x128xf32, #tpu.memory_space<vmem>>, vector<16xf32>,
        %get3A_847 = arith.index_cast %add3A_843 : i32 to index
        %get3A_848 = arith.constant 0 : index
        %get3A_849 = tpu.vector_load %arg10[%get3A_847, %get3A_848] {strides = array<i32>} : memref<128x128xf32, #tpu.memory_space<vmem>>, vector<16xf32>,
        %mul3A_850 = arith.mulf %get3A_846, %get3A_849 : vector<16xf32>
        %get3A_851 = arith.index_cast %add3A_843 : i32 to index
        %get3A_852 = arith.constant 16 : index
        %get3A_853 = tpu.vector_load %arg9[%get3A_851, %get3A_852] {strides = array<i32>} : memref<128x128xf32, #tpu.memory_space<vmem>>, vector<16xf32>,
        %get3A_854 = arith.index_cast %add3A_843 : i32 to index
        %get3A_855 = arith.constant 16 : index
        %get3A_856 = tpu.vector_load %arg10[%get3A_854, %get3A_855] {strides = array<i32>} : memref<128x128xf32, #tpu.memory_space<vmem>>, vector<16xf32>,
        %mul3A_857 = arith.mulf %get3A_853, %get3A_856 : vector<16xf32>
        %add3A_858 = arith.addf %mul3A_850, %mul3A_857 : vector<16xf32>
        %get3A_859 = arith.index_cast %add3A_843 : i32 to index
        %get3A_860 = arith.constant 32 : index
        %get3A_861 = tpu.vector_load %arg9[%get3A_859, %get3A_860] {strides = array<i32>} : memref<128x128xf32, #tpu.memory_space<vmem>>, vector<16xf32>,
        %get3A_862 = arith.index_cast %add3A_843 : i32 to index
        %get3A_863 = arith.constant 32 : index
        %get3A_864 = tpu.vector_load %arg10[%get3A_862, %get3A_863] {strides = array<i32>} : memref<128x128xf32, #tpu.memory_space<vmem>>, vector<16xf32>,
        %mul3A_865 = arith.mulf %get3A_861, %get3A_864 : vector<16xf32>
        %add3A_866 = arith.addf %add3A_858, %mul3A_865 : vector<16xf32>
        %get3A_867 = arith.index_cast %add3A_843 : i32 to index
        %get3A_868 = arith.constant 48 : index
        %get3A_869 = tpu.vector_load %arg9[%get3A_867, %get3A_868] {strides = array<i32>} : memref<128x128xf32, #tpu.memory_space<vmem>>, vector<16xf32>,
        %get3A_870 = arith.index_cast %add3A_843 : i32 to index
        %get3A_871 = arith.constant 48 : index
        %get3A_872 = tpu.vector_load %arg10[%get3A_870, %get3A_871] {strides = array<i32>} : memref<128x128xf32, #tpu.memory_space<vmem>>, vector<16xf32>,
        %mul3A_873 = arith.mulf %get3A_869, %get3A_872 : vector<16xf32>
        %add3A_874 = arith.addf %add3A_866, %mul3A_873 : vector<16xf32>
        %get3A_875 = arith.index_cast %add3A_843 : i32 to index
        %get3A_876 = arith.constant 64 : index
        %get3A_877 = tpu.vector_load %arg9[%get3A_875, %get3A_876] {strides = array<i32>} : memref<128x128xf32, #tpu.memory_space<vmem>>, vector<16xf32>,
        %get3A_878 = arith.index_cast %add3A_843 : i32 to index
        %get3A_879 = arith.constant 64 : index
        %get3A_880 = tpu.vector_load %arg10[%get3A_878, %get3A_879] {strides = array<i32>} : memref<128x128xf32, #tpu.memory_space<vmem>>, vector<16xf32>,
        %mul3A_881 = arith.mulf %get3A_877, %get3A_880 : vector<16xf32>
        %add3A_882 = arith.addf %add3A_874, %mul3A_881 : vector<16xf32>
        %get3A_883 = arith.index_cast %add3A_843 : i32 to index
        %get3A_884 = arith.constant 80 : index
        %get3A_885 = tpu.vector_load %arg9[%get3A_883, %get3A_884] {strides = array<i32>} : memref<128x128xf32, #tpu.memory_space<vmem>>, vector<16xf32>,
        %get3A_886 = arith.index_cast %add3A_843 : i32 to index
        %get3A_887 = arith.constant 80 : index
        %get3A_888 = tpu.vector_load %arg10[%get3A_886, %get3A_887] {strides = array<i32>} : memref<128x128xf32, #tpu.memory_space<vmem>>, vector<16xf32>,
        %mul3A_889 = arith.mulf %get3A_885, %get3A_888 : vector<16xf32>
        %add3A_890 = arith.addf %add3A_882, %mul3A_889 : vector<16xf32>
        %get3A_891 = arith.index_cast %add3A_843 : i32 to index
        %get3A_892 = arith.constant 96 : index
        %get3A_893 = tpu.vector_load %arg9[%get3A_891, %get3A_892] {strides = array<i32>} : memref<128x128xf32, #tpu.memory_space<vmem>>, vector<16xf32>,
        %get3A_894 = arith.index_cast %add3A_843 : i32 to index
        %get3A_895 = arith.constant 96 : index
        %get3A_896 = tpu.vector_load %arg10[%get3A_894, %get3A_895] {strides = array<i32>} : memref<128x128xf32, #tpu.memory_space<vmem>>, vector<16xf32>,
        %mul3A_897 = arith.mulf %get3A_893, %get3A_896 : vector<16xf32>
        %add3A_898 = arith.addf %add3A_890, %mul3A_897 : vector<16xf32>
        %get3A_899 = arith.index_cast %add3A_843 : i32 to index
        %get3A_900 = arith.constant 112 : index
        %get3A_901 = tpu.vector_load %arg9[%get3A_899, %get3A_900] {strides = array<i32>} : memref<128x128xf32, #tpu.memory_space<vmem>>, vector<16xf32>,
        %get3A_902 = arith.index_cast %add3A_843 : i32 to index
        %get3A_903 = arith.constant 112 : index
        %get3A_904 = tpu.vector_load %arg10[%get3A_902, %get3A_903] {strides = array<i32>} : memref<128x128xf32, #tpu.memory_space<vmem>>, vector<16xf32>,
        %mul3A_905 = arith.mulf %get3A_901, %get3A_904 : vector<16xf32>
        %add3A_906 = arith.addf %add3A_898, %mul3A_905 : vector<16xf32>
        %eq3A_907 = arith.constant 11 : i32
        %eq3A_908 = vector.broadcast %eq3A_907 : i32 to vector<16xi32>
        %eq3A_909 = arith.cmpi eq, %iota3A, %eq3A_908 : vector<16xi32>
        %reduce_sum3A_910 = arith.constant true
        %reduce_sum3A_911 = vector.broadcast %reduce_sum3A_910 : i1 to vector<16xi1>
        %reduce_sum3A_912 = tpu.scan <sum>, %add3A_906 masked %reduce_sum3A_911 : vector<16xf32>, vector<16xi1> -> vector<16xf32>
        %reduce_sum3A_913 = vector.extract %reduce_sum3A_912[15] : f32 from vector<16xf32>
        %broadcast_in_dim3A_914 = vector.broadcast %reduce_sum3A_913 : f32 to vector<16xf32>
        %select_n3A_915 = arith.select %eq3A_909, %broadcast_in_dim3A_914, %select_n3A_841 : vector<16xi1>, vector<16xf32>
        %add3A_916 = arith.constant 12 : i32
        %add3A_917 = arith.addi %mul3A_30, %add3A_916 : i32
        %get3A_918 = arith.index_cast %add3A_917 : i32 to index
        %get3A_919 = arith.constant 0 : index
        %get3A_920 = tpu.vector_load %arg9[%get3A_918, %get3A_919] {strides = array<i32>} : memref<128x128xf32, #tpu.memory_space<vmem>>, vector<16xf32>,
        %get3A_921 = arith.index_cast %add3A_917 : i32 to index
        %get3A_922 = arith.constant 0 : index
        %get3A_923 = tpu.vector_load %arg10[%get3A_921, %get3A_922] {strides = array<i32>} : memref<128x128xf32, #tpu.memory_space<vmem>>, vector<16xf32>,
        %mul3A_924 = arith.mulf %get3A_920, %get3A_923 : vector<16xf32>
        %get3A_925 = arith.index_cast %add3A_917 : i32 to index
        %get3A_926 = arith.constant 16 : index
        %get3A_927 = tpu.vector_load %arg9[%get3A_925, %get3A_926] {strides = array<i32>} : memref<128x128xf32, #tpu.memory_space<vmem>>, vector<16xf32>,
        %get3A_928 = arith.index_cast %add3A_917 : i32 to index
        %get3A_929 = arith.constant 16 : index
        %get3A_930 = tpu.vector_load %arg10[%get3A_928, %get3A_929] {strides = array<i32>} : memref<128x128xf32, #tpu.memory_space<vmem>>, vector<16xf32>,
        %mul3A_931 = arith.mulf %get3A_927, %get3A_930 : vector<16xf32>
        %add3A_932 = arith.addf %mul3A_924, %mul3A_931 : vector<16xf32>
        %get3A_933 = arith.index_cast %add3A_917 : i32 to index
        %get3A_934 = arith.constant 32 : index
        %get3A_935 = tpu.vector_load %arg9[%get3A_933, %get3A_934] {strides = array<i32>} : memref<128x128xf32, #tpu.memory_space<vmem>>, vector<16xf32>,
        %get3A_936 = arith.index_cast %add3A_917 : i32 to index
        %get3A_937 = arith.constant 32 : index
        %get3A_938 = tpu.vector_load %arg10[%get3A_936, %get3A_937] {strides = array<i32>} : memref<128x128xf32, #tpu.memory_space<vmem>>, vector<16xf32>,
        %mul3A_939 = arith.mulf %get3A_935, %get3A_938 : vector<16xf32>
        %add3A_940 = arith.addf %add3A_932, %mul3A_939 : vector<16xf32>
        %get3A_941 = arith.index_cast %add3A_917 : i32 to index
        %get3A_942 = arith.constant 48 : index
        %get3A_943 = tpu.vector_load %arg9[%get3A_941, %get3A_942] {strides = array<i32>} : memref<128x128xf32, #tpu.memory_space<vmem>>, vector<16xf32>,
        %get3A_944 = arith.index_cast %add3A_917 : i32 to index
        %get3A_945 = arith.constant 48 : index
        %get3A_946 = tpu.vector_load %arg10[%get3A_944, %get3A_945] {strides = array<i32>} : memref<128x128xf32, #tpu.memory_space<vmem>>, vector<16xf32>,
        %mul3A_947 = arith.mulf %get3A_943, %get3A_946 : vector<16xf32>
        %add3A_948 = arith.addf %add3A_940, %mul3A_947 : vector<16xf32>
        %get3A_949 = arith.index_cast %add3A_917 : i32 to index
        %get3A_950 = arith.constant 64 : index
        %get3A_951 = tpu.vector_load %arg9[%get3A_949, %get3A_950] {strides = array<i32>} : memref<128x128xf32, #tpu.memory_space<vmem>>, vector<16xf32>,
        %get3A_952 = arith.index_cast %add3A_917 : i32 to index
        %get3A_953 = arith.constant 64 : index
        %get3A_954 = tpu.vector_load %arg10[%get3A_952, %get3A_953] {strides = array<i32>} : memref<128x128xf32, #tpu.memory_space<vmem>>, vector<16xf32>,
        %mul3A_955 = arith.mulf %get3A_951, %get3A_954 : vector<16xf32>
        %add3A_956 = arith.addf %add3A_948, %mul3A_955 : vector<16xf32>
        %get3A_957 = arith.index_cast %add3A_917 : i32 to index
        %get3A_958 = arith.constant 80 : index
        %get3A_959 = tpu.vector_load %arg9[%get3A_957, %get3A_958] {strides = array<i32>} : memref<128x128xf32, #tpu.memory_space<vmem>>, vector<16xf32>,
        %get3A_960 = arith.index_cast %add3A_917 : i32 to index
        %get3A_961 = arith.constant 80 : index
        %get3A_962 = tpu.vector_load %arg10[%get3A_960, %get3A_961] {strides = array<i32>} : memref<128x128xf32, #tpu.memory_space<vmem>>, vector<16xf32>,
        %mul3A_963 = arith.mulf %get3A_959, %get3A_962 : vector<16xf32>
        %add3A_964 = arith.addf %add3A_956, %mul3A_963 : vector<16xf32>
        %get3A_965 = arith.index_cast %add3A_917 : i32 to index
        %get3A_966 = arith.constant 96 : index
        %get3A_967 = tpu.vector_load %arg9[%get3A_965, %get3A_966] {strides = array<i32>} : memref<128x128xf32, #tpu.memory_space<vmem>>, vector<16xf32>,
        %get3A_968 = arith.index_cast %add3A_917 : i32 to index
        %get3A_969 = arith.constant 96 : index
        %get3A_970 = tpu.vector_load %arg10[%get3A_968, %get3A_969] {strides = array<i32>} : memref<128x128xf32, #tpu.memory_space<vmem>>, vector<16xf32>,
        %mul3A_971 = arith.mulf %get3A_967, %get3A_970 : vector<16xf32>
        %add3A_972 = arith.addf %add3A_964, %mul3A_971 : vector<16xf32>
        %get3A_973 = arith.index_cast %add3A_917 : i32 to index
        %get3A_974 = arith.constant 112 : index
        %get3A_975 = tpu.vector_load %arg9[%get3A_973, %get3A_974] {strides = array<i32>} : memref<128x128xf32, #tpu.memory_space<vmem>>, vector<16xf32>,
        %get3A_976 = arith.index_cast %add3A_917 : i32 to index
        %get3A_977 = arith.constant 112 : index
        %get3A_978 = tpu.vector_load %arg10[%get3A_976, %get3A_977] {strides = array<i32>} : memref<128x128xf32, #tpu.memory_space<vmem>>, vector<16xf32>,
        %mul3A_979 = arith.mulf %get3A_975, %get3A_978 : vector<16xf32>
        %add3A_980 = arith.addf %add3A_972, %mul3A_979 : vector<16xf32>
        %eq3A_981 = arith.constant 12 : i32
        %eq3A_982 = vector.broadcast %eq3A_981 : i32 to vector<16xi32>
        %eq3A_983 = arith.cmpi eq, %iota3A, %eq3A_982 : vector<16xi32>
        %reduce_sum3A_984 = arith.constant true
        %reduce_sum3A_985 = vector.broadcast %reduce_sum3A_984 : i1 to vector<16xi1>
        %reduce_sum3A_986 = tpu.scan <sum>, %add3A_980 masked %reduce_sum3A_985 : vector<16xf32>, vector<16xi1> -> vector<16xf32>
        %reduce_sum3A_987 = vector.extract %reduce_sum3A_986[15] : f32 from vector<16xf32>
        %broadcast_in_dim3A_988 = vector.broadcast %reduce_sum3A_987 : f32 to vector<16xf32>
        %select_n3A_989 = arith.select %eq3A_983, %broadcast_in_dim3A_988, %select_n3A_915 : vector<16xi1>, vector<16xf32>
        %add3A_990 = arith.constant 13 : i32
        %add3A_991 = arith.addi %mul3A_30, %add3A_990 : i32
        %get3A_992 = arith.index_cast %add3A_991 : i32 to index
        %get3A_993 = arith.constant 0 : index
        %get3A_994 = tpu.vector_load %arg9[%get3A_992, %get3A_993] {strides = array<i32>} : memref<128x128xf32, #tpu.memory_space<vmem>>, vector<16xf32>,
        %get3A_995 = arith.index_cast %add3A_991 : i32 to index
        %get3A_996 = arith.constant 0 : index
        %get3A_997 = tpu.vector_load %arg10[%get3A_995, %get3A_996] {strides = array<i32>} : memref<128x128xf32, #tpu.memory_space<vmem>>, vector<16xf32>,
        %mul3A_998 = arith.mulf %get3A_994, %get3A_997 : vector<16xf32>
        %get3A_999 = arith.index_cast %add3A_991 : i32 to index
        %get3A_1000 = arith.constant 16 : index
        %get3A_1001 = tpu.vector_load %arg9[%get3A_999, %get3A_1000] {strides = array<i32>} : memref<128x128xf32, #tpu.memory_space<vmem>>, vector<16xf32>,
        %get3A_1002 = arith.index_cast %add3A_991 : i32 to index
        %get3A_1003 = arith.constant 16 : index
        %get3A_1004 = tpu.vector_load %arg10[%get3A_1002, %get3A_1003] {strides = array<i32>} : memref<128x128xf32, #tpu.memory_space<vmem>>, vector<16xf32>,
        %mul3A_1005 = arith.mulf %get3A_1001, %get3A_1004 : vector<16xf32>
        %add3A_1006 = arith.addf %mul3A_998, %mul3A_1005 : vector<16xf32>
        %get3A_1007 = arith.index_cast %add3A_991 : i32 to index
        %get3A_1008 = arith.constant 32 : index
        %get3A_1009 = tpu.vector_load %arg9[%get3A_1007, %get3A_1008] {strides = array<i32>} : memref<128x128xf32, #tpu.memory_space<vmem>>, vector<16xf32>,
        %get3A_1010 = arith.index_cast %add3A_991 : i32 to index
        %get3A_1011 = arith.constant 32 : index
        %get3A_1012 = tpu.vector_load %arg10[%get3A_1010, %get3A_1011] {strides = array<i32>} : memref<128x128xf32, #tpu.memory_space<vmem>>, vector<16xf32>,
        %mul3A_1013 = arith.mulf %get3A_1009, %get3A_1012 : vector<16xf32>
        %add3A_1014 = arith.addf %add3A_1006, %mul3A_1013 : vector<16xf32>
        %get3A_1015 = arith.index_cast %add3A_991 : i32 to index
        %get3A_1016 = arith.constant 48 : index
        %get3A_1017 = tpu.vector_load %arg9[%get3A_1015, %get3A_1016] {strides = array<i32>} : memref<128x128xf32, #tpu.memory_space<vmem>>, vector<16xf32>,
        %get3A_1018 = arith.index_cast %add3A_991 : i32 to index
        %get3A_1019 = arith.constant 48 : index
        %get3A_1020 = tpu.vector_load %arg10[%get3A_1018, %get3A_1019] {strides = array<i32>} : memref<128x128xf32, #tpu.memory_space<vmem>>, vector<16xf32>,
        %mul3A_1021 = arith.mulf %get3A_1017, %get3A_1020 : vector<16xf32>
        %add3A_1022 = arith.addf %add3A_1014, %mul3A_1021 : vector<16xf32>
        %get3A_1023 = arith.index_cast %add3A_991 : i32 to index
        %get3A_1024 = arith.constant 64 : index
        %get3A_1025 = tpu.vector_load %arg9[%get3A_1023, %get3A_1024] {strides = array<i32>} : memref<128x128xf32, #tpu.memory_space<vmem>>, vector<16xf32>,
        %get3A_1026 = arith.index_cast %add3A_991 : i32 to index
        %get3A_1027 = arith.constant 64 : index
        %get3A_1028 = tpu.vector_load %arg10[%get3A_1026, %get3A_1027] {strides = array<i32>} : memref<128x128xf32, #tpu.memory_space<vmem>>, vector<16xf32>,
        %mul3A_1029 = arith.mulf %get3A_1025, %get3A_1028 : vector<16xf32>
        %add3A_1030 = arith.addf %add3A_1022, %mul3A_1029 : vector<16xf32>
        %get3A_1031 = arith.index_cast %add3A_991 : i32 to index
        %get3A_1032 = arith.constant 80 : index
        %get3A_1033 = tpu.vector_load %arg9[%get3A_1031, %get3A_1032] {strides = array<i32>} : memref<128x128xf32, #tpu.memory_space<vmem>>, vector<16xf32>,
        %get3A_1034 = arith.index_cast %add3A_991 : i32 to index
        %get3A_1035 = arith.constant 80 : index
        %get3A_1036 = tpu.vector_load %arg10[%get3A_1034, %get3A_1035] {strides = array<i32>} : memref<128x128xf32, #tpu.memory_space<vmem>>, vector<16xf32>,
        %mul3A_1037 = arith.mulf %get3A_1033, %get3A_1036 : vector<16xf32>
        %add3A_1038 = arith.addf %add3A_1030, %mul3A_1037 : vector<16xf32>
        %get3A_1039 = arith.index_cast %add3A_991 : i32 to index
        %get3A_1040 = arith.constant 96 : index
        %get3A_1041 = tpu.vector_load %arg9[%get3A_1039, %get3A_1040] {strides = array<i32>} : memref<128x128xf32, #tpu.memory_space<vmem>>, vector<16xf32>,
        %get3A_1042 = arith.index_cast %add3A_991 : i32 to index
        %get3A_1043 = arith.constant 96 : index
        %get3A_1044 = tpu.vector_load %arg10[%get3A_1042, %get3A_1043] {strides = array<i32>} : memref<128x128xf32, #tpu.memory_space<vmem>>, vector<16xf32>,
        %mul3A_1045 = arith.mulf %get3A_1041, %get3A_1044 : vector<16xf32>
        %add3A_1046 = arith.addf %add3A_1038, %mul3A_1045 : vector<16xf32>
        %get3A_1047 = arith.index_cast %add3A_991 : i32 to index
        %get3A_1048 = arith.constant 112 : index
        %get3A_1049 = tpu.vector_load %arg9[%get3A_1047, %get3A_1048] {strides = array<i32>} : memref<128x128xf32, #tpu.memory_space<vmem>>, vector<16xf32>,
        %get3A_1050 = arith.index_cast %add3A_991 : i32 to index
        %get3A_1051 = arith.constant 112 : index
        %get3A_1052 = tpu.vector_load %arg10[%get3A_1050, %get3A_1051] {strides = array<i32>} : memref<128x128xf32, #tpu.memory_space<vmem>>, vector<16xf32>,
        %mul3A_1053 = arith.mulf %get3A_1049, %get3A_1052 : vector<16xf32>
        %add3A_1054 = arith.addf %add3A_1046, %mul3A_1053 : vector<16xf32>
        %eq3A_1055 = arith.constant 13 : i32
        %eq3A_1056 = vector.broadcast %eq3A_1055 : i32 to vector<16xi32>
        %eq3A_1057 = arith.cmpi eq, %iota3A, %eq3A_1056 : vector<16xi32>
        %reduce_sum3A_1058 = arith.constant true
        %reduce_sum3A_1059 = vector.broadcast %reduce_sum3A_1058 : i1 to vector<16xi1>
        %reduce_sum3A_1060 = tpu.scan <sum>, %add3A_1054 masked %reduce_sum3A_1059 : vector<16xf32>, vector<16xi1> -> vector<16xf32>
        %reduce_sum3A_1061 = vector.extract %reduce_sum3A_1060[15] : f32 from vector<16xf32>
        %broadcast_in_dim3A_1062 = vector.broadcast %reduce_sum3A_1061 : f32 to vector<16xf32>
        %select_n3A_1063 = arith.select %eq3A_1057, %broadcast_in_dim3A_1062, %select_n3A_989 : vector<16xi1>, vector<16xf32>
        %add3A_1064 = arith.constant 14 : i32
        %add3A_1065 = arith.addi %mul3A_30, %add3A_1064 : i32
        %get3A_1066 = arith.index_cast %add3A_1065 : i32 to index
        %get3A_1067 = arith.constant 0 : index
        %get3A_1068 = tpu.vector_load %arg9[%get3A_1066, %get3A_1067] {strides = array<i32>} : memref<128x128xf32, #tpu.memory_space<vmem>>, vector<16xf32>,
        %get3A_1069 = arith.index_cast %add3A_1065 : i32 to index
        %get3A_1070 = arith.constant 0 : index
        %get3A_1071 = tpu.vector_load %arg10[%get3A_1069, %get3A_1070] {strides = array<i32>} : memref<128x128xf32, #tpu.memory_space<vmem>>, vector<16xf32>,
        %mul3A_1072 = arith.mulf %get3A_1068, %get3A_1071 : vector<16xf32>
        %get3A_1073 = arith.index_cast %add3A_1065 : i32 to index
        %get3A_1074 = arith.constant 16 : index
        %get3A_1075 = tpu.vector_load %arg9[%get3A_1073, %get3A_1074] {strides = array<i32>} : memref<128x128xf32, #tpu.memory_space<vmem>>, vector<16xf32>,
        %get3A_1076 = arith.index_cast %add3A_1065 : i32 to index
        %get3A_1077 = arith.constant 16 : index
        %get3A_1078 = tpu.vector_load %arg10[%get3A_1076, %get3A_1077] {strides = array<i32>} : memref<128x128xf32, #tpu.memory_space<vmem>>, vector<16xf32>,
        %mul3A_1079 = arith.mulf %get3A_1075, %get3A_1078 : vector<16xf32>
        %add3A_1080 = arith.addf %mul3A_1072, %mul3A_1079 : vector<16xf32>
        %get3A_1081 = arith.index_cast %add3A_1065 : i32 to index
        %get3A_1082 = arith.constant 32 : index
        %get3A_1083 = tpu.vector_load %arg9[%get3A_1081, %get3A_1082] {strides = array<i32>} : memref<128x128xf32, #tpu.memory_space<vmem>>, vector<16xf32>,
        %get3A_1084 = arith.index_cast %add3A_1065 : i32 to index
        %get3A_1085 = arith.constant 32 : index
        %get3A_1086 = tpu.vector_load %arg10[%get3A_1084, %get3A_1085] {strides = array<i32>} : memref<128x128xf32, #tpu.memory_space<vmem>>, vector<16xf32>,
        %mul3A_1087 = arith.mulf %get3A_1083, %get3A_1086 : vector<16xf32>
        %add3A_1088 = arith.addf %add3A_1080, %mul3A_1087 : vector<16xf32>
        %get3A_1089 = arith.index_cast %add3A_1065 : i32 to index
        %get3A_1090 = arith.constant 48 : index
        %get3A_1091 = tpu.vector_load %arg9[%get3A_1089, %get3A_1090] {strides = array<i32>} : memref<128x128xf32, #tpu.memory_space<vmem>>, vector<16xf32>,
        %get3A_1092 = arith.index_cast %add3A_1065 : i32 to index
        %get3A_1093 = arith.constant 48 : index
        %get3A_1094 = tpu.vector_load %arg10[%get3A_1092, %get3A_1093] {strides = array<i32>} : memref<128x128xf32, #tpu.memory_space<vmem>>, vector<16xf32>,
        %mul3A_1095 = arith.mulf %get3A_1091, %get3A_1094 : vector<16xf32>
        %add3A_1096 = arith.addf %add3A_1088, %mul3A_1095 : vector<16xf32>
        %get3A_1097 = arith.index_cast %add3A_1065 : i32 to index
        %get3A_1098 = arith.constant 64 : index
        %get3A_1099 = tpu.vector_load %arg9[%get3A_1097, %get3A_1098] {strides = array<i32>} : memref<128x128xf32, #tpu.memory_space<vmem>>, vector<16xf32>,
        %get3A_1100 = arith.index_cast %add3A_1065 : i32 to index
        %get3A_1101 = arith.constant 64 : index
        %get3A_1102 = tpu.vector_load %arg10[%get3A_1100, %get3A_1101] {strides = array<i32>} : memref<128x128xf32, #tpu.memory_space<vmem>>, vector<16xf32>,
        %mul3A_1103 = arith.mulf %get3A_1099, %get3A_1102 : vector<16xf32>
        %add3A_1104 = arith.addf %add3A_1096, %mul3A_1103 : vector<16xf32>
        %get3A_1105 = arith.index_cast %add3A_1065 : i32 to index
        %get3A_1106 = arith.constant 80 : index
        %get3A_1107 = tpu.vector_load %arg9[%get3A_1105, %get3A_1106] {strides = array<i32>} : memref<128x128xf32, #tpu.memory_space<vmem>>, vector<16xf32>,
        %get3A_1108 = arith.index_cast %add3A_1065 : i32 to index
        %get3A_1109 = arith.constant 80 : index
        %get3A_1110 = tpu.vector_load %arg10[%get3A_1108, %get3A_1109] {strides = array<i32>} : memref<128x128xf32, #tpu.memory_space<vmem>>, vector<16xf32>,
        %mul3A_1111 = arith.mulf %get3A_1107, %get3A_1110 : vector<16xf32>
        %add3A_1112 = arith.addf %add3A_1104, %mul3A_1111 : vector<16xf32>
        %get3A_1113 = arith.index_cast %add3A_1065 : i32 to index
        %get3A_1114 = arith.constant 96 : index
        %get3A_1115 = tpu.vector_load %arg9[%get3A_1113, %get3A_1114] {strides = array<i32>} : memref<128x128xf32, #tpu.memory_space<vmem>>, vector<16xf32>,
        %get3A_1116 = arith.index_cast %add3A_1065 : i32 to index
        %get3A_1117 = arith.constant 96 : index
        %get3A_1118 = tpu.vector_load %arg10[%get3A_1116, %get3A_1117] {strides = array<i32>} : memref<128x128xf32, #tpu.memory_space<vmem>>, vector<16xf32>,
        %mul3A_1119 = arith.mulf %get3A_1115, %get3A_1118 : vector<16xf32>
        %add3A_1120 = arith.addf %add3A_1112, %mul3A_1119 : vector<16xf32>
        %get3A_1121 = arith.index_cast %add3A_1065 : i32 to index
        %get3A_1122 = arith.constant 112 : index
        %get3A_1123 = tpu.vector_load %arg9[%get3A_1121, %get3A_1122] {strides = array<i32>} : memref<128x128xf32, #tpu.memory_space<vmem>>, vector<16xf32>,
        %get3A_1124 = arith.index_cast %add3A_1065 : i32 to index
        %get3A_1125 = arith.constant 112 : index
        %get3A_1126 = tpu.vector_load %arg10[%get3A_1124, %get3A_1125] {strides = array<i32>} : memref<128x128xf32, #tpu.memory_space<vmem>>, vector<16xf32>,
        %mul3A_1127 = arith.mulf %get3A_1123, %get3A_1126 : vector<16xf32>
        %add3A_1128 = arith.addf %add3A_1120, %mul3A_1127 : vector<16xf32>
        %eq3A_1129 = arith.constant 14 : i32
        %eq3A_1130 = vector.broadcast %eq3A_1129 : i32 to vector<16xi32>
        %eq3A_1131 = arith.cmpi eq, %iota3A, %eq3A_1130 : vector<16xi32>
        %reduce_sum3A_1132 = arith.constant true
        %reduce_sum3A_1133 = vector.broadcast %reduce_sum3A_1132 : i1 to vector<16xi1>
        %reduce_sum3A_1134 = tpu.scan <sum>, %add3A_1128 masked %reduce_sum3A_1133 : vector<16xf32>, vector<16xi1> -> vector<16xf32>
        %reduce_sum3A_1135 = vector.extract %reduce_sum3A_1134[15] : f32 from vector<16xf32>
        %broadcast_in_dim3A_1136 = vector.broadcast %reduce_sum3A_1135 : f32 to vector<16xf32>
        %select_n3A_1137 = arith.select %eq3A_1131, %broadcast_in_dim3A_1136, %select_n3A_1063 : vector<16xi1>, vector<16xf32>
        %add3A_1138 = arith.constant 15 : i32
        %add3A_1139 = arith.addi %mul3A_30, %add3A_1138 : i32
        %get3A_1140 = arith.index_cast %add3A_1139 : i32 to index
        %get3A_1141 = arith.constant 0 : index
        %get3A_1142 = tpu.vector_load %arg9[%get3A_1140, %get3A_1141] {strides = array<i32>} : memref<128x128xf32, #tpu.memory_space<vmem>>, vector<16xf32>,
        %get3A_1143 = arith.index_cast %add3A_1139 : i32 to index
        %get3A_1144 = arith.constant 0 : index
        %get3A_1145 = tpu.vector_load %arg10[%get3A_1143, %get3A_1144] {strides = array<i32>} : memref<128x128xf32, #tpu.memory_space<vmem>>, vector<16xf32>,
        %mul3A_1146 = arith.mulf %get3A_1142, %get3A_1145 : vector<16xf32>
        %get3A_1147 = arith.index_cast %add3A_1139 : i32 to index
        %get3A_1148 = arith.constant 16 : index
        %get3A_1149 = tpu.vector_load %arg9[%get3A_1147, %get3A_1148] {strides = array<i32>} : memref<128x128xf32, #tpu.memory_space<vmem>>, vector<16xf32>,
        %get3A_1150 = arith.index_cast %add3A_1139 : i32 to index
        %get3A_1151 = arith.constant 16 : index
        %get3A_1152 = tpu.vector_load %arg10[%get3A_1150, %get3A_1151] {strides = array<i32>} : memref<128x128xf32, #tpu.memory_space<vmem>>, vector<16xf32>,
        %mul3A_1153 = arith.mulf %get3A_1149, %get3A_1152 : vector<16xf32>
        %add3A_1154 = arith.addf %mul3A_1146, %mul3A_1153 : vector<16xf32>
        %get3A_1155 = arith.index_cast %add3A_1139 : i32 to index
        %get3A_1156 = arith.constant 32 : index
        %get3A_1157 = tpu.vector_load %arg9[%get3A_1155, %get3A_1156] {strides = array<i32>} : memref<128x128xf32, #tpu.memory_space<vmem>>, vector<16xf32>,
        %get3A_1158 = arith.index_cast %add3A_1139 : i32 to index
        %get3A_1159 = arith.constant 32 : index
        %get3A_1160 = tpu.vector_load %arg10[%get3A_1158, %get3A_1159] {strides = array<i32>} : memref<128x128xf32, #tpu.memory_space<vmem>>, vector<16xf32>,
        %mul3A_1161 = arith.mulf %get3A_1157, %get3A_1160 : vector<16xf32>
        %add3A_1162 = arith.addf %add3A_1154, %mul3A_1161 : vector<16xf32>
        %get3A_1163 = arith.index_cast %add3A_1139 : i32 to index
        %get3A_1164 = arith.constant 48 : index
        %get3A_1165 = tpu.vector_load %arg9[%get3A_1163, %get3A_1164] {strides = array<i32>} : memref<128x128xf32, #tpu.memory_space<vmem>>, vector<16xf32>,
        %get3A_1166 = arith.index_cast %add3A_1139 : i32 to index
        %get3A_1167 = arith.constant 48 : index
        %get3A_1168 = tpu.vector_load %arg10[%get3A_1166, %get3A_1167] {strides = array<i32>} : memref<128x128xf32, #tpu.memory_space<vmem>>, vector<16xf32>,
        %mul3A_1169 = arith.mulf %get3A_1165, %get3A_1168 : vector<16xf32>
        %add3A_1170 = arith.addf %add3A_1162, %mul3A_1169 : vector<16xf32>
        %get3A_1171 = arith.index_cast %add3A_1139 : i32 to index
        %get3A_1172 = arith.constant 64 : index
        %get3A_1173 = tpu.vector_load %arg9[%get3A_1171, %get3A_1172] {strides = array<i32>} : memref<128x128xf32, #tpu.memory_space<vmem>>, vector<16xf32>,
        %get3A_1174 = arith.index_cast %add3A_1139 : i32 to index
        %get3A_1175 = arith.constant 64 : index
        %get3A_1176 = tpu.vector_load %arg10[%get3A_1174, %get3A_1175] {strides = array<i32>} : memref<128x128xf32, #tpu.memory_space<vmem>>, vector<16xf32>,
        %mul3A_1177 = arith.mulf %get3A_1173, %get3A_1176 : vector<16xf32>
        %add3A_1178 = arith.addf %add3A_1170, %mul3A_1177 : vector<16xf32>
        %get3A_1179 = arith.index_cast %add3A_1139 : i32 to index
        %get3A_1180 = arith.constant 80 : index
        %get3A_1181 = tpu.vector_load %arg9[%get3A_1179, %get3A_1180] {strides = array<i32>} : memref<128x128xf32, #tpu.memory_space<vmem>>, vector<16xf32>,
        %get3A_1182 = arith.index_cast %add3A_1139 : i32 to index
        %get3A_1183 = arith.constant 80 : index
        %get3A_1184 = tpu.vector_load %arg10[%get3A_1182, %get3A_1183] {strides = array<i32>} : memref<128x128xf32, #tpu.memory_space<vmem>>, vector<16xf32>,
        %mul3A_1185 = arith.mulf %get3A_1181, %get3A_1184 : vector<16xf32>
        %add3A_1186 = arith.addf %add3A_1178, %mul3A_1185 : vector<16xf32>
        %get3A_1187 = arith.index_cast %add3A_1139 : i32 to index
        %get3A_1188 = arith.constant 96 : index
        %get3A_1189 = tpu.vector_load %arg9[%get3A_1187, %get3A_1188] {strides = array<i32>} : memref<128x128xf32, #tpu.memory_space<vmem>>, vector<16xf32>,
        %get3A_1190 = arith.index_cast %add3A_1139 : i32 to index
        %get3A_1191 = arith.constant 96 : index
        %get3A_1192 = tpu.vector_load %arg10[%get3A_1190, %get3A_1191] {strides = array<i32>} : memref<128x128xf32, #tpu.memory_space<vmem>>, vector<16xf32>,
        %mul3A_1193 = arith.mulf %get3A_1189, %get3A_1192 : vector<16xf32>
        %add3A_1194 = arith.addf %add3A_1186, %mul3A_1193 : vector<16xf32>
        %get3A_1195 = arith.index_cast %add3A_1139 : i32 to index
        %get3A_1196 = arith.constant 112 : index
        %get3A_1197 = tpu.vector_load %arg9[%get3A_1195, %get3A_1196] {strides = array<i32>} : memref<128x128xf32, #tpu.memory_space<vmem>>, vector<16xf32>,
        %get3A_1198 = arith.index_cast %add3A_1139 : i32 to index
        %get3A_1199 = arith.constant 112 : index
        %get3A_1200 = tpu.vector_load %arg10[%get3A_1198, %get3A_1199] {strides = array<i32>} : memref<128x128xf32, #tpu.memory_space<vmem>>, vector<16xf32>,
        %mul3A_1201 = arith.mulf %get3A_1197, %get3A_1200 : vector<16xf32>
        %add3A_1202 = arith.addf %add3A_1194, %mul3A_1201 : vector<16xf32>
        %eq3A_1203 = arith.constant 15 : i32
        %eq3A_1204 = vector.broadcast %eq3A_1203 : i32 to vector<16xi32>
        %eq3A_1205 = arith.cmpi eq, %iota3A, %eq3A_1204 : vector<16xi32>
        %reduce_sum3A_1206 = arith.constant true
        %reduce_sum3A_1207 = vector.broadcast %reduce_sum3A_1206 : i1 to vector<16xi1>
        %reduce_sum3A_1208 = tpu.scan <sum>, %add3A_1202 masked %reduce_sum3A_1207 : vector<16xf32>, vector<16xi1> -> vector<16xf32>
        %reduce_sum3A_1209 = vector.extract %reduce_sum3A_1208[15] : f32 from vector<16xf32>
        %broadcast_in_dim3A_1210 = vector.broadcast %reduce_sum3A_1209 : f32 to vector<16xf32>
        %select_n3A_1211 = arith.select %eq3A_1205, %broadcast_in_dim3A_1210, %select_n3A_1137 : vector<16xi1>, vector<16xf32>
        %swap3A = arith.index_cast %mul3A_30 : i32 to index
        %swap3A_1212 = tpu.vector_load %arg11[%swap3A] {strides = array<i32>} : memref<128xf32, #tpu.memory_space<vmem>>, vector<16xf32>,
        tpu.vector_store %arg11[%swap3A], %select_n3A_1211 {strides = array<i32>} : memref<128xf32, #tpu.memory_space<vmem>>, vector<16xf32>,
      }
      %scan3A_27 = arith.constant 8 : i32
      "tpu.region"() ({
        %run_scoped3A = tpu.sem_alloc : memref<!tpu.dma_semaphore, #tpu.memory_space<semaphore_mem>>
        %dma_start3A_28 = tpu.memref_slice %arg6[%add3A_11] : memref<503808xf32, #tpu.memory_space<hbm>> -> memref<128xf32, #tpu.memory_space<hbm>>
        %dma_start3A_29 = tpu.memref_slice %arg6[%add3A_11] : memref<503808xf32, #tpu.memory_space<hbm>> -> memref<128xf32, #tpu.memory_space<hbm>>
        tpu.enqueue_dma source(%arg11 : memref<128xf32, #tpu.memory_space<vmem>>) target(%dma_start3A_29 : memref<128xf32, #tpu.memory_space<hbm>>) target_semaphore(%run_scoped3A : memref<!tpu.dma_semaphore, #tpu.memory_space<semaphore_mem>>)
        %dma_wait3A_30 = tpu.memref_slice %arg6[%add3A_11] : memref<503808xf32, #tpu.memory_space<hbm>> -> memref<128xf32, #tpu.memory_space<hbm>>
        %dma_wait3A_31 = tpu.memref_slice %arg6[%add3A_11] : memref<503808xf32, #tpu.memory_space<hbm>> -> memref<128xf32, #tpu.memory_space<hbm>>
        tpu.wait_dma2 semaphore(%run_scoped3A : memref<!tpu.dma_semaphore, #tpu.memory_space<semaphore_mem>>) src(%arg11 : memref<128xf32, #tpu.memory_space<vmem>>) dst(%dma_wait3A_31 : memref<128xf32, #tpu.memory_space<hbm>>)
        tpu.yield
      }) : () -> ()
    }
    %scan3A_7 = arith.constant 123 : i32
    return
  }
}

</mosaic_0001>

<sc_bundles>
// kernel: kernel.3.cloned.1.call-start
scs
__scs_entry_jumppad:
0x0: {  	(pc) =	sbr.rel $0x88, $3  }
0x1: {  	(tag) =	ssettag $0x0;
	lr =	simm.s32 $0x1  }
0x2: {  	[smem:$0x3F9E] =	sst lr;
	_ =	strace $0xD0000000  }
0x3: {  	_ = 	snop  }
0x4: {  	_ = 	snop  }
0x5: {  	_ = 	snop  }
0x6: {  	_ = 	snop  }
0x7: {  	_ = 	snop  }
__scs_overlays_trampoline_lowered:
0x8: {  	[smem:$0x3FAD] =	sst s0  }
0x9: {  	[smem:$0x3FAE] =	sst s1  }
0xa: {  	[smem:$0x3FAF] =	sst s2  }
0xb: {  	[smem:$0x3FB0] =	sst s3  }
0xc: {  	[smem:$0x3FB1] =	sst s4  }
0xd: {  	[smem:$0x3FB2] =	sst s5  }
0xe: {  	[smem:$0x3FB3] =	sst s6  }
0xf: {  	[smem:$0x3FB4] =	sst s7  }
0x10: {  	[smem:$0x3FB5] =	sst s8  }
0x11: {  	[smem:$0x3FB6] =	sst s9;
	s0 =	simm.s32 @!p0 $0x0  }
0x12: {  	s1 =	sld [smem:$0x3F9C];
	s0 =	simm.s32 @p0 $0x1  }
0x13: {  	[smem:$0x3FB7] =	sst s0;
	s0 =	simm.s32 @!p1 $0x0  }
0x14: {  	s2 =	sld [smem:$0x3F9B];
	s0 =	simm.s32 @p1 $0x1  }
0x15: {  	[smem:$0x3FB8] =	sst s0;
	s0 =	simm.s32 @!p2 $0x0  }
0x16: {  	s3 =	sld [smem:$0x3FDB];
	s0 =	simm.s32 @p2 $0x1  }
0x17: {  	s4 =	simm.s32 $0x1BF5;
	[smem:$0x3FBA] =	sst s0  }
0x18: {  	s0 =	sld [smem:$0x3F9D];
	_ =	swait.ge [sflag:s4], $0x0  }
0x19: {  	s7 =	sld [smem:$0x3F9E]  }
0x1a: {  	s8 =	sadd.s32 $0xFFFFE003, lr  }
0x1b: {  	s9 =	sadd.s32 $0xFFFFFEF7, lr;
	s5 =	simm.s32 $0xFFFFFFFF;
	p2 =	slt.u32 s8, $0xFFFFF086  }
0x1c: {  	p1 =	slt.u32 s9, $0xF7A;
	s5 =	simm.s32 @!p2 $0x0  }
0x1d: {  	s5 =	simm.s32 @p1 $0x1;
	p0 =	seq.s32 s7, s2  }
0x1e: {  	s7 =	smul.u32 @!p0 $0xF7A, s2;
	p2 =	seq.s32 @!p0 s5, $0x0  }
0x1f: {  	s9 =	smul.u32 $0xF7A, s1;
	s8 =	simm.s32 @!p0 $0x1BF5;
	p2 =	por !p2, p0  }
0x20: {  	[sflag:s8] =	ssyncset.s32 @!p0 $0xFFFFF086;
	s6 =	sadd.s32 @!p0 s3, s7;
	s7 =	simm.s32 @!p0 $0x108  }
0x21: {  	s3 =	sadd.s32 s3, s9;
	s6 =	sadd.s32 @!p0 $0x88, s6;
	s7 =	simm.s32 @p2 $0x1082  }
0x22: {  	[simem:s7], [sflag:s8] =	dma.local @!p0 [hbm:s6], $0xF7A  }
0x23: {  	s9 =	sor.u32 $0xD0000000, s2;
	s6 =	simm.s32 $0x108;
	_ =	swait.ge @!p0 [sflag:s8], $0x0  }
0x24: {  	s3 =	sadd.s32 $0x88, s3;
	s6 =	simm.s32 @!p1 $0x1082;
	[sflag:s4] =	ssyncset.s32 $0xFFFFF086  }
0x25: {  	[simem:s6], [sflag:s4] =	dma.local [hbm:s3], $0xF7A  }
0x26: {  	[smem:$0x3F9E] =	sst s1;
	(tag) =	ssettag s2;
	_ =	strace s9  }
0x27: {  	s1 =	sld [smem:$0x3FAE]  }
0x28: {  	s2 =	sld [smem:$0x3FAF]  }
0x29: {  	s4 =	sld [smem:$0x3FB1]  }
0x2a: {  	p0 =	seq.s32 s5, $0x0;
	s5 =	sld [smem:$0x3FB2]  }
0x2b: {  	s6 =	sld [smem:$0x3FB3]  }
0x2c: {  	s7 =	sld [smem:$0x3FB4]  }
0x2d: {  	s3 =	simm.s32 $0x108;
	s8 =	sld [smem:$0x3FB5]  }
0x2e: {  	s3 =	simm.s32 @!p0 $0x1082;
	s9 =	sld [smem:$0x3FB6]  }
0x2f: {  	lr =	sadd.s32 s0, s3;
	s0 =	sld [smem:$0x3FAD]  }
0x30: {  	s3 =	sld [smem:$0x3FB0]  }
0x31: {  	[smem:$0x3FB9] =	sst s10  }
0x32: {  	s10 =	sld [smem:$0x3FB7];
	_ =	sdelay $0x3  }
0x33: {  	p0 =	seq.s32 s10, $0x1;
	s10 =	sld [smem:$0x3FB9];
	_ =	sdelay $0x3  }
0x34: {  	[smem:$0x3FB9] =	sst s10  }
0x35: {  	s10 =	sld [smem:$0x3FB8];
	_ =	sdelay $0x3  }
0x36: {  	p1 =	seq.s32 s10, $0x1;
	s10 =	sld [smem:$0x3FB9];
	_ =	sdelay $0x3  }
0x37: {  	[smem:$0x3FB9] =	sst s10  }
0x38: {  	s10 =	sld [smem:$0x3FBA]  }
0x39: {  	_ = 	snop;
	(pc) =	sbr.ind lr, $3  }
0x3a: {  	_ = 	snop  }
0x3b: {  	_ = 	snop  }
0x3c: {  	p2 =	seq.s32 s10, $0x1;
	s10 =	sld [smem:$0x3FB9]  }
0x3d: {  	_ =	shalt  }
0x3e: {  	_ =	shalt  }
0x3f: {  	_ =	shalt  }
0x40: {  	_ =	shalt  }
0x41: {  	_ =	shalt  }
0x42: {  	_ =	shalt  }
0x43: {  	_ =	shalt  }
0x44: {  	_ =	shalt  }
0x45: {  	_ =	shalt  }
0x46: {  	_ =	shalt  }
0x47: {  	_ =	shalt  }
0x48: {  	_ =	shalt  }
0x49: {  	_ =	shalt  }
0x4a: {  	_ =	shalt  }
0x4b: {  	_ =	shalt  }
0x4c: {  	_ =	shalt  }
0x4d: {  	_ =	shalt  }
0x4e: {  	_ =	shalt  }
0x4f: {  	_ =	shalt  }
0x50: {  	_ =	shalt  }
0x51: {  	_ =	shalt  }
0x52: {  	_ =	shalt  }
0x53: {  	_ =	shalt  }
0x54: {  	_ =	shalt  }
0x55: {  	_ =	shalt  }
0x56: {  	_ =	shalt  }
0x57: {  	_ =	shalt  }
0x58: {  	_ =	shalt  }
0x59: {  	_ =	shalt  }
0x5a: {  	_ =	shalt  }
0x5b: {  	_ =	shalt  }
0x5c: {  	_ =	shalt  }
0x5d: {  	_ =	shalt  }
0x5e: {  	_ =	shalt  }
0x5f: {  	_ =	shalt  }
0x60: {  	_ =	shalt  }
0x61: {  	_ =	shalt  }
0x62: {  	_ =	shalt  }
0x63: {  	_ =	shalt  }
0x64: {  	_ =	shalt  }
0x65: {  	_ =	shalt  }
0x66: {  	_ =	shalt  }
0x67: {  	_ =	shalt  }
0x68: {  	_ =	shalt  }
0x69: {  	_ =	shalt  }
0x6a: {  	_ =	shalt  }
0x6b: {  	_ =	shalt  }
0x6c: {  	_ =	shalt  }
0x6d: {  	_ =	shalt  }
0x6e: {  	_ =	shalt  }
0x6f: {  	_ =	shalt  }
0x70: {  	_ =	shalt  }
0x71: {  	_ =	shalt  }
0x72: {  	_ =	shalt  }
0x73: {  	_ =	shalt  }
0x74: {  	_ =	shalt  }
0x75: {  	_ =	shalt  }
0x76: {  	_ =	shalt  }
0x77: {  	_ =	shalt  }
0x78: {  	_ =	shalt  }
0x79: {  	_ =	shalt  }
0x7a: {  	_ =	shalt  }
0x7b: {  	_ =	shalt  }
0x7c: {  	_ =	shalt  }
0x7d: {  	_ =	shalt  }
0x7e: {  	_ =	shalt  }
0x7f: {  	_ =	shalt  }
0x80: {  	_ =	shalt  }
0x81: {  	_ =	shalt  }
0x82: {  	_ =	shalt  }
0x83: {  	_ =	shalt  }
0x84: {  	_ =	shalt  }
0x85: {  	_ =	shalt  }
0x86: {  	_ =	shalt  }
0x87: {  	_ =	shalt  }
.Lfunc_end0:
.L_simem_size_0:
called_computation_lowered:
.L_overlay_start_0:
0x88: {  	s2 =	sld [smem:$0x3FD9]  }
0x89: {  	s3 =	sld [smem:$0x3FFE];
	_ =	sdelay $0x1  }
0x8a: {  	s1 =	srdreg.scid  }
0x8b: {  	s0 =	sand.u32 $0x1, s1  }
0x8c: {  	s17 =	sshll.u32 s0, $0xA;
	s2 =	sadd.s32 s3, s2  }
0x8d: {  	s2 =	sadd.s32 s2, s17  }
0x8e: {  	[smem:$0x3FC5] =	sst s2  }
0x8f: {  	_ = 	snop  }
0x90: {  	s2 =	sld [smem:$0x3FC9]  }
0x91: {  	s18 =	sld [smem:$0x3FC8];
	(tm) =	ssettm $0x1  }
0x92: {  	s4 =	sld [smem:$0x3FFB];
	_ =	sdelay $0x3  }
0x93: {  	_ =	strace s4  }
0x94: {  	s4 =	sld [smem:$0x3FFC];
	_ =	sdelay $0x3  }
0x95: {  	_ =	strace s4  }
0x96: {  	s4 =	sld [smem:$0x3FFD];
	_ =	sdelay $0x3  }
0x97: {  	_ =	strace s4  }
0x98: {  	_ =	strace $0x8FFFFFFF  }
0x99: {  	s19 =	sld [smem:$0x3FDB];
	_ =	sdelay $0x1  }
0x9a: {  	s5 =	simm.s32 $_scs_section_size  }
0x9b: {  	s6 =	simm.s32 $_size__tile_overlayer_lowered;
	s7 =	simm.s32 $_tile_overlayer_lowered  }
0x9c: {  	s22 =	simm.s32 $0x1BFF;
	s21 =	sshll.u32 s7, $0x1;
	s4 =	sadd.s32 s5, s19  }
0x9d: {  	s8 =	simm.s32 $0x0;
	s20 =	sshll.u32 s6, $0x1;
	s6 =	sadd.s32 s21, s4  }
0x9e: {  	[timem:s8], [sflag:s22] =	dma.local [hbm:s6], s20  }
0x9f: {  	_ =	swait.ge [sflag:s22], s20  }
0xa0: {  	s5 =	ssub.s32 $0x0, s20;
	[sflag:s22] =	ssyncset.done $0x0  }
0xa1: {  	[sflag:s22] =	ssyncadd.s32 s5;
	_ =	sdelay $0x1  }
0xa2: {  	s23 =	simm.s32 $0x1B8B  }
0xa3: {  	_ =	swait.ge [sflag:s23], $0x1  }
0xa4: {  	[sflag:s23] =	ssyncset.done $0x0  }
0xa5: {  	s25 =	simm.s32 $0x1B8E;
	s24 =	sld [smem:$0x3FFE];
	[sflag:s23] =	ssyncadd.s32 $0xFFFFFFFF  }
0xa6: {  	s26 =	simm.s32 $execute0_lowered;
	[smem:$0x3FD2] =	sst s25  }
0xa7: {  	s6 =	sshll.u32 s26, $0x1;
	_ =	strace $0x80000046;
	[dreg:$0x1] =	wrdreg $0xFFFFFFFF  }
0xa8: {  	s28 =	simm.s32 $_size_execute0_lowered;
	s4 =	sadd.s32 s4, s6;
	[dreg:$0x0] =	wrdreg $0x0  }
0xa9: {  	s6 =	sshll.u32 s28, $0x1;
	[dreg:$0x2] =	wrdreg s4  }
0xaa: {  	[dreg:$0x3] =	wrdreg s6  }
0xab: {  	[dreg:$0x4] =	wrdreg $0xC0  }
0xac: {  	_ =	task [dreg:s8], $0x5FFFF  }
0xad: {  	[dreg:$0x1] =	wrdreg $0xFFFFFFFF  }
0xae: {  	[dreg:$0x0] =	wrdreg $0x60  }
0xaf: {  	[dreg:$0x2] =	wrdreg s2  }
0xb0: {  	[dreg:$0x3] =	wrdreg s18  }
0xb1: {  	[dreg:$0x4] =	wrdreg s24  }
0xb2: {  	[dreg:$0x5] =	wrdreg $0x9  }
0xb3: {  	_ =	task.clear_ibuf [dreg:s8], $0x6FFFF;
	_ =	strace $0x90000046  }
0xb4: {  	s29 =	simm.s32 $0x9;
	_ =	strace $0x80000048  }
0xb5: {  	_ =	swait.ge [sflag:s29], $0x1  }
0xb6: {  	[sflag:s29] =	ssyncadd.s32 $0xFFFFFFFF  }
0xb7: {  	_ =	strace $0x90000048  }
0xb8: {  	_ =	sfence  }
0xb9: {  	s30 =	sld [smem:$0x0];
	_ =	sdelay $0x2  }
0xba: {  	s31 =	sshll.u32 s1, $0xD;
	s1 =	sshrl.u32 s1, $0x2  }
0xbb: {  	s3 =	sand.u32 $0x4000, s31;
	s1 =	sadd.s32 s1, s30  }
0xbc: {  	s0 =	sor.u32 s3, s0;
	s1 =	sshll.u32 s1, $0x11  }
0xbd: {  	s0 =	sor.u32 s1, s0  }
0xbe: {  	s0 =	sadd.s32 $0x8F2B, s0  }
0xbf: {  	[sflag:s0] =	ssyncadd.remote.s32 $0x1  }
0xc0: {  	_ =	sfence.sel $0xFFFF  }
0xc1: {  	[dreg:$0x0] =	wrdreg $0xFFFFFFFF;
	(pc) =	sbr.abs _section_cstart, $3  }
0xc2: {  	[dreg:$0x1] =	wrdreg $0xFFFFFFFF  }
0xc3: {  	_ =	task.clear_ibuf [dreg:s8], $0x2FFFF;
	_ =	strace $0x9FFFFFFF  }
0xc4: {  	(tm) =	ssettm $0x7FFFFFFF  }
0xc5: {  	_ =	shalt  }
tec
execute0_lowered:
.L_overlay_start_1:
0x0: {  	(tag) =	ssettag $0x1  }
0x1: {  	s1 =	rddreg [dreg:$0x0]  }
0x2: {  	s2 =	rddreg [dreg:$0x1]  }
0x3: {  	s3 =	rddreg [dreg:$0x2]  }
0x4: {  	s0 =	rddreg [dreg:$0x3];
	s5 =	simm.s32 $0x0;
	s6 =	srdreg.scid  }
0x5: {  	s4 =	stileid.u32;
	s11 =	simm.s32 $0x80;
	s12 =	simm.s32 $0x100  }
0x6: {  	s13 =	simm.s32 $0x4100;
	s14 =	simm.s32 $0x1;
	s15 =	simm.s32 $0x2  }
0x7: {  	vm0 =	vmmov $0x1;
	vm1 =	vmmov $0x3;
	vm2 =	vmmov $0x7;
	s16 =	simm.s32 $0x8100;
	s17 =	simm.s32 $0x0;
	s7 =	sand.u32 $0x1, s6  }
0x8: {  	vm3 =	vmmov $0xf;
	vm4 =	vmmov $0x1f;
	vm5 =	vmmov $0x3f;
	[smem:$0x7FF] =	sst s5;
	s9 =	sshll.u32 s4, $0x1;
	s8 =	ssub.s32 $0x2, s7  }
0x9: {  	vm6 =	vmmov $0x7f;
	vm7 =	vmmov $0xff;
	vm8 =	vmmov $0x1ff;
	s6 =	sadd.s32 $0xF600, s3;
	_ =	strace $0x80000047;
	s10 =	sshrl.u32 s8, $0x1  }
0xa: {  	vm9 =	vmmov $0x3ff;
	vm10 =	vmmov $0x7ff;
	vm11 =	vmmov $0xfff;
	s9 =	sor.u32 s7, s9;
	s7 =	sadd.s32 $0x1EC00, s3;
	s10 =	ssub.s32 s8, s10  }
0xb: {  	vm12 =	vmmov $0x1fff;
	vm13 =	vmmov $0x3fff;
	vm14 =	vmmov $0x7fff;
	s8 =	smul.u32 $0x7B, s9;
	s9 =	smax.u32 s10, $0x1;
	s10 =	simm.s32 $0x3  }
.LBB2_1:
0xc: {  	s18 =	simm.s32 $0x0  }
.LBB2_2:
0xd: {  	s19 =	sadd.s32 s8, s18  }
0xe: {  	s19 =	sshll.u32 s19, $0x4  }
0xf: {  	s20 =	simm.s32 $0x0;
	s21 =	sadd.s32 s6, s19  }
0x10: {  	[tilespmem:s20], [sflag:$0x3] =	stream.linear.gather [hbm4b:s21+s20], $0x80, $0x38;
	[tilespmem:$0x8180] =	vst v63  }
0x11: {  	_ =	swait.ge [sflag:s10], $0x80  }
0x12: {  	[sflag:s10] =	ssyncset.done $0x0  }
0x13: {  	s31 =	sadd.s32 s3, s19;
	[sflag:s10] =	ssyncadd.s32 $0xFFFFFF80  }
0x14: {  	[tilespmem:s11], [sflag:$0x3] =	stream.linear.gather [hbm4b:s31+s20], $0x80, $0x38;
	[tilespmem:$0x8180] =	vst v63  }
0x15: {  	_ =	swait.ge [sflag:s10], $0x80  }
0x16: {  	[sflag:s10] =	ssyncset.done $0x0  }
0x17: {  	[sflag:s10] =	ssyncadd.s32 $0xFFFFFF80  }
0x18: {  	[tilespmem:s12], [sflag:$0x1] =	stream.indirect.gather [hbm4b:s1+s11], $0x80, s20, s11, $0xb8;
	[tilespmem:$0x8180] =	vst v63  }
0x19: {  	_ = 	snop  }
0x1a: {  	[tilespmem:s13], [sflag:$0x2] =	stream.indirect.gather [hbm4b:s2+s11], $0x80, s11, s11, $0xb8;
	[tilespmem:$0x8180] =	vst v63  }
0x1b: {  	_ =	swait.ge [sflag:s14], $0x4000  }
0x1c: {  	[sflag:s14] =	ssyncset.done $0x0  }
0x1d: {  	[sflag:s14] =	ssyncadd.s32 $0xFFFFC000  }
0x1e: {  	_ =	swait.ge [sflag:s15], $0x4000  }
0x1f: {  	[sflag:s15] =	ssyncset.done $0x0  }
0x20: {  	s21 =	simm.s32 $0x0;
	[sflag:s15] =	ssyncadd.s32 $0xFFFFC000  }
0x21: {  	v2 =	vld [tilespmem:s21+$0x560];
	_ =	sdelay $0x4  }
0x22: {  	[tilespmem:$0x1FAC0] =	vst v2;
	v2 =	vld [tilespmem:s21+$0x4560];
	_ =	sdelay $0x4  }
0x23: {  	[tilespmem:$0x1FAD0] =	vst v2;
	v2 =	vld [tilespmem:s21+$0x5D0];
	_ =	sdelay $0x4  }
0x24: {  	[tilespmem:$0x1FB10] =	vst v2;
	v2 =	vld [tilespmem:s21+$0x45D0];
	_ =	sdelay $0x4  }
0x25: {  	[tilespmem:$0x1FB20] =	vst v2;
	v2 =	vld [tilespmem:s21+$0x640];
	_ =	sdelay $0x4  }
0x26: {  	[tilespmem:$0x1FB30] =	vst v2;
	v2 =	vld [tilespmem:s21+$0x4640];
	_ =	sdelay $0x4  }
0x27: {  	[tilespmem:$0x1FB40] =	vst v2;
	v2 =	vld [tilespmem:s21+$0x6B0];
	_ =	sdelay $0x4  }
0x28: {  	[tilespmem:$0x1FAE0] =	vst v2;
	v2 =	vld [tilespmem:s21+$0x46B0];
	_ =	sdelay $0x4  }
0x29: {  	[tilespmem:$0x1FAF0] =	vst v2;
	v2 =	vld [tilespmem:s21+$0x780];
	_ =	sdelay $0x4  }
0x2a: {  	[tilespmem:$0x1FB00] =	vst v2;
	v2 =	vld [tilespmem:s21+$0x470];
	_ =	sdelay $0x4  }
0x2b: {  	[tilespmem:$0x1FB50] =	vst v2;
	v2 =	vld [tilespmem:s21+$0x4470];
	_ =	sdelay $0x4  }
0x2c: {  	[tilespmem:$0x1FB60] =	vst v2;
	v2 =	vld [tilespmem:s21+$0x4E0];
	_ =	sdelay $0x4  }
0x2d: {  	[tilespmem:$0x1F8A0] =	vst v2;
	v2 =	vld [tilespmem:s21+$0x550];
	_ =	sdelay $0x4  }
0x2e: {  	[tilespmem:$0x1FB80] =	vst v2;
	v2 =	vld [tilespmem:s21+$0x4550];
	_ =	sdelay $0x4  }
0x2f: {  	[tilespmem:$0x1FB90] =	vst v2;
	v2 =	vld [tilespmem:s21+$0x5C0];
	_ =	sdelay $0x4  }
0x30: {  	[tilespmem:$0x1FBA0] =	vst v2;
	v2 =	vld [tilespmem:s21+$0x45C0];
	_ =	sdelay $0x4  }
0x31: {  	[tilespmem:$0x1FBB0] =	vst v2;
	v2 =	vld [tilespmem:s21+$0x630];
	_ =	sdelay $0x4  }
0x32: {  	[tilespmem:$0x1FBF0] =	vst v2;
	v2 =	vld [tilespmem:s21+$0x4630];
	_ =	sdelay $0x4  }
0x33: {  	[tilespmem:$0x1FC00] =	vst v2;
	v2 =	vld [tilespmem:s21+$0x3F0];
	_ =	sdelay $0x4  }
0x34: {  	[tilespmem:$0x1FBD0] =	vst v2;
	v2 =	vld [tilespmem:s21+$0x43F0];
	_ =	sdelay $0x4  }
0x35: {  	[tilespmem:$0x1FBE0] =	vst v2;
	v2 =	vld [tilespmem:s21+$0x460];
	_ =	sdelay $0x4  }
0x36: {  	[tilespmem:$0x1FC20] =	vst v2;
	v2 =	vld [tilespmem:s21+$0x4460];
	_ =	sdelay $0x4  }
0x37: {  	[tilespmem:$0x1FC30] =	vst v2;
	v2 =	vld [tilespmem:s21+$0x4D0];
	_ =	sdelay $0x4  }
0x38: {  	[tilespmem:$0x1F8B0] =	vst v2;
	v2 =	vld [tilespmem:s21+$0x44D0];
	_ =	sdelay $0x4  }
0x39: {  	[tilespmem:$0x1F8C0] =	vst v2;
	v2 =	vld [tilespmem:s21+$0x540];
	_ =	sdelay $0x4  }
0x3a: {  	[tilespmem:$0x1FC40] =	vst v2;
	v2 =	vld [tilespmem:s21+$0x4540];
	_ =	sdelay $0x4  }
0x3b: {  	[tilespmem:$0x1FC50] =	vst v2;
	v2 =	vld [tilespmem:s21+$0x5B0];
	_ =	sdelay $0x4  }
0x3c: {  	[tilespmem:$0x1FC60] =	vst v2;
	v2 =	vld [tilespmem:s21+$0x45B0];
	_ =	sdelay $0x4  }
0x3d: {  	[tilespmem:$0x1FC70] =	vst v2;
	v2 =	vld [tilespmem:s21+$0x620];
	_ =	sdelay $0x4  }
0x3e: {  	[tilespmem:$0x1FC80] =	vst v2;
	v2 =	vld [tilespmem:s21+$0x4620];
	_ =	sdelay $0x4  }
0x3f: {  	[tilespmem:$0x1FC90] =	vst v2;
	v2 =	vld [tilespmem:s21+$0x3E0];
	_ =	sdelay $0x4  }
0x40: {  	[tilespmem:$0x1FCA0] =	vst v2;
	v2 =	vld [tilespmem:s21+$0x43E0];
	_ =	sdelay $0x4  }
0x41: {  	[tilespmem:$0x1FCB0] =	vst v2;
	v2 =	vld [tilespmem:s21+$0x450];
	_ =	sdelay $0x4  }
0x42: {  	[tilespmem:$0x1FD00] =	vst v2;
	v2 =	vld [tilespmem:s21+$0x4450];
	_ =	sdelay $0x4  }
0x43: {  	[tilespmem:$0x1FD10] =	vst v2;
	v2 =	vld [tilespmem:s21+$0x4C0];
	_ =	sdelay $0x4  }
0x44: {  	[tilespmem:$0x1FD40] =	vst v2;
	v2 =	vld [tilespmem:s21+$0x44C0];
	_ =	sdelay $0x4  }
0x45: {  	[tilespmem:$0x1FD50] =	vst v2;
	v2 =	vld [tilespmem:s21+$0x530];
	_ =	sdelay $0x4  }
0x46: {  	[tilespmem:$0x1FD20] =	vst v2;
	v2 =	vld [tilespmem:s21+$0x4530];
	_ =	sdelay $0x4  }
0x47: {  	[tilespmem:$0x1FD30] =	vst v2;
	v2 =	vld [tilespmem:s21+$0x600];
	_ =	sdelay $0x4  }
0x48: {  	[tilespmem:$0x1FCC0] =	vst v2;
	v2 =	vld [tilespmem:s21+$0x4600];
	_ =	sdelay $0x4  }
0x49: {  	[tilespmem:$0x1FCD0] =	vst v2;
	v2 =	vld [tilespmem:s21+$0x610];
	_ =	sdelay $0x4  }
0x4a: {  	[tilespmem:$0x1FCE0] =	vst v2;
	v2 =	vld [tilespmem:s21+$0x4610];
	_ =	sdelay $0x4  }
0x4b: {  	[tilespmem:$0x1FCF0] =	vst v2;
	v2 =	vld [tilespmem:s21+$0x2F0];
	_ =	sdelay $0x4  }
0x4c: {  	[tilespmem:$0x1FD70] =	vst v2;
	v2 =	vld [tilespmem:s21+$0x42F0];
	_ =	sdelay $0x4  }
0x4d: {  	[tilespmem:$0x1FD80] =	vst v2;
	v2 =	vld [tilespmem:s21+$0x360];
	_ =	sdelay $0x4  }
0x4e: {  	[tilespmem:$0x1F8D0] =	vst v2;
	v2 =	vld [tilespmem:s21+$0x3D0];
	_ =	sdelay $0x4  }
0x4f: {  	[tilespmem:$0x1FD90] =	vst v2;
	v2 =	vld [tilespmem:s21+$0x43D0];
	_ =	sdelay $0x4  }
0x50: {  	[tilespmem:$0x1FDA0] =	vst v2;
	v2 =	vld [tilespmem:s21+$0x440];
	_ =	sdelay $0x4  }
0x51: {  	[tilespmem:$0x1FDB0] =	vst v2;
	v2 =	vld [tilespmem:s21+$0x4440];
	_ =	sdelay $0x4  }
0x52: {  	[tilespmem:$0x1FDC0] =	vst v2;
	v2 =	vld [tilespmem:s21+$0x4B0];
	_ =	sdelay $0x4  }
0x53: {  	[tilespmem:$0x1FDD0] =	vst v2;
	v2 =	vld [tilespmem:s21+$0x44B0];
	_ =	sdelay $0x4  }
0x54: {  	[tilespmem:$0x1FDE0] =	vst v2;
	v2 =	vld [tilespmem:s21+$0x270];
	_ =	sdelay $0x4  }
0x55: {  	[tilespmem:$0x1FE00] =	vst v2;
	v2 =	vld [tilespmem:s21+$0x4270];
	_ =	sdelay $0x4  }
0x56: {  	[tilespmem:$0x1FE10] =	vst v2;
	v2 =	vld [tilespmem:s21+$0x2E0];
	_ =	sdelay $0x4  }
0x57: {  	[tilespmem:$0x1FE20] =	vst v2;
	v2 =	vld [tilespmem:s21+$0x42E0];
	_ =	sdelay $0x4  }
0x58: {  	[tilespmem:$0x1FE30] =	vst v2;
	v2 =	vld [tilespmem:s21+$0x350]  }
0x59: {  	v0 =	vld [tilespmem:s21+$0x48D0];
	_ =	sdelay $0x3  }
0x5a: {  	[tilespmem:$0x1F8E0] =	vst v2;
	v2 =	vld [tilespmem:s21+$0x4350]  }
0x5b: {  	[tilespmem:$0x1F810] =	vst v0;
	v0 =	vld [tilespmem:s21+$0x8C0];
	_ =	sdelay $0x3  }
0x5c: {  	[tilespmem:$0x1F8F0] =	vst v2;
	v2 =	vld [tilespmem:s21+$0x3C0]  }
0x5d: {  	[tilespmem:$0x1F820] =	vst v0;
	v0 =	vld [tilespmem:s21+$0x48C0];
	_ =	sdelay $0x3  }
0x5e: {  	[tilespmem:$0x1FE40] =	vst v2;
	v2 =	vld [tilespmem:s21+$0x43C0]  }
0x5f: {  	[tilespmem:$0x1F830] =	vst v0;
	v0 =	vld [tilespmem:s21+$0x7E0];
	_ =	sdelay $0x3  }
0x60: {  	[tilespmem:$0x1FE50] =	vst v2;
	v2 =	vld [tilespmem:s21+$0x430]  }
0x61: {  	[tilespmem:$0x1F840] =	vst v0;
	v0 =	vld [tilespmem:s21+$0x46F0];
	_ =	sdelay $0x3  }
0x62: {  	[tilespmem:$0x1FE80] =	vst v2;
	v2 =	vld [tilespmem:s21+$0x4430]  }
0x63: {  	[tilespmem:$0x1F940] =	vst v0;
	v0 =	vld [tilespmem:s21+$0x4760];
	_ =	sdelay $0x3  }
0x64: {  	[tilespmem:$0x1FE90] =	vst v2;
	v2 =	vld [tilespmem:s21+$0x4A0]  }
0x65: {  	[tilespmem:$0x1F960] =	vst v0;
	v0 =	vld [tilespmem:s21+$0x7D0];
	_ =	sdelay $0x3  }
0x66: {  	[tilespmem:$0x1FEA0] =	vst v2;
	v2 =	vld [tilespmem:s21+$0x44A0]  }
0x67: {  	[tilespmem:$0x1F850] =	vst v0;
	v0 =	vld [tilespmem:s21+$0x47D0];
	_ =	sdelay $0x3  }
0x68: {  	[tilespmem:$0x1FEB0] =	vst v2;
	v2 =	vld [tilespmem:s21+$0x170]  }
0x69: {  	[tilespmem:$0x1F860] =	vst v0;
	v0 =	vld [tilespmem:s21+$0x4840];
	_ =	sdelay $0x3  }
0x6a: {  	[tilespmem:$0x1FF20] =	vst v2;
	v2 =	vld [tilespmem:s21+$0x4170]  }
0x6b: {  	[tilespmem:$0x1F970] =	vst v0;
	v0 =	vld [tilespmem:s21+$0x8A0];
	_ =	sdelay $0x3  }
0x6c: {  	[tilespmem:$0x1FF30] =	vst v2;
	v2 =	vld [tilespmem:s21+$0x260]  }
0x6d: {  	[tilespmem:$0x1F980] =	vst v0;
	v0 =	vld [tilespmem:s21+$0x48A0];
	_ =	sdelay $0x3  }
0x6e: {  	[tilespmem:$0x1FF40] =	vst v2;
	v2 =	vld [tilespmem:s21+$0x4260]  }
0x6f: {  	[tilespmem:$0x1F990] =	vst v0;
	v0 =	vld [tilespmem:s21+$0x6E0];
	_ =	sdelay $0x3  }
0x70: {  	[tilespmem:$0x1FF50] =	vst v2;
	v2 =	vld [tilespmem:s21+$0x2D0]  }
0x71: {  	[tilespmem:$0x1F9B0] =	vst v0;
	v0 =	vld [tilespmem:s21+$0x46E0];
	_ =	sdelay $0x3  }
0x72: {  	[tilespmem:$0x1FF60] =	vst v2;
	v2 =	vld [tilespmem:s21+$0x42D0]  }
0x73: {  	[tilespmem:$0x1F9C0] =	vst v0;
	v0 =	vld [tilespmem:s21+$0x4750];
	_ =	sdelay $0x3  }
0x74: {  	[tilespmem:$0x1FF70] =	vst v2;
	v2 =	vld [tilespmem:s21+$0x340]  }
0x75: {  	[tilespmem:$0x1F9D0] =	vst v0;
	v0 =	vld [tilespmem:s21+$0x7C0];
	_ =	sdelay $0x3  }
0x76: {  	[tilespmem:$0x1F900] =	vst v2;
	v2 =	vld [tilespmem:s21+$0x4340]  }
0x77: {  	[tilespmem:$0x1F9E0] =	vst v0;
	v0 =	vld [tilespmem:s21+$0x47C0];
	_ =	sdelay $0x3  }
0x78: {  	[tilespmem:$0x1F910] =	vst v2;
	v2 =	vld [tilespmem:s21+$0x3B0]  }
0x79: {  	[tilespmem:$0x1F9F0] =	vst v0;
	v0 =	vld [tilespmem:s21+$0x880];
	_ =	sdelay $0x3  }
0x7a: {  	[tilespmem:$0x1FEC0] =	vst v2;
	v2 =	vld [tilespmem:s21+$0x43B0]  }
0x7b: {  	[tilespmem:$0x1FA00] =	vst v0;
	v0 =	vld [tilespmem:s21+$0x4880];
	_ =	sdelay $0x3  }
0x7c: {  	[tilespmem:$0x1FED0] =	vst v2;
	v2 =	vld [tilespmem:s21+$0x420]  }
0x7d: {  	[tilespmem:$0x1FA10] =	vst v0;
	v0 =	vld [tilespmem:s21+$0x890];
	_ =	sdelay $0x3  }
0x7e: {  	[tilespmem:$0x1FE60] =	vst v2;
	v2 =	vld [tilespmem:s21+$0x4420]  }
0x7f: {  	[tilespmem:$0x1FA20] =	vst v0;
	v0 =	vld [tilespmem:s21+$0x4890];
	_ =	sdelay $0x3  }
0x80: {  	[tilespmem:$0x1FE70] =	vst v2;
	v2 =	vld [tilespmem:s21+$0x480]  }
0x81: {  	[tilespmem:$0x1FA30] =	vst v0;
	v0 =	vld [tilespmem:s21+$0x5F0];
	_ =	sdelay $0x3  }
0x82: {  	[tilespmem:$0x1FEE0] =	vst v2;
	v2 =	vld [tilespmem:s21+$0x4480]  }
0x83: {  	[tilespmem:$0x1FA40] =	vst v0;
	v0 =	vld [tilespmem:s21+$0x45F0];
	_ =	sdelay $0x3  }
0x84: {  	[tilespmem:$0x1FEF0] =	vst v2;
	v2 =	vld [tilespmem:s21+$0x490]  }
0x85: {  	[tilespmem:$0x1FA50] =	vst v0;
	v0 =	vld [tilespmem:s21+$0x660];
	_ =	sdelay $0x3  }
0x86: {  	[tilespmem:$0x1FF00] =	vst v2;
	v2 =	vld [tilespmem:s21+$0x4490]  }
0x87: {  	[tilespmem:$0x1F870] =	vst v0;
	v0 =	vld [tilespmem:s21+$0x6D0];
	_ =	sdelay $0x3  }
0x88: {  	[tilespmem:$0x1FF10] =	vst v2;
	v2 =	vld [tilespmem:s21+$0x160]  }
0x89: {  	[tilespmem:$0x1FA60] =	vst v0;
	v0 =	vld [tilespmem:s21+$0x650];
	_ =	sdelay $0x3  }
0x8a: {  	[tilespmem:$0x1FF80] =	vst v2;
	v2 =	vld [tilespmem:s21+$0x4160]  }
0x8b: {  	[tilespmem:$0x1F880] =	vst v0;
	v0 =	vld [tilespmem:s21+$0x4650];
	_ =	sdelay $0x3  }
0x8c: {  	[tilespmem:$0x1FF90] =	vst v2;
	v2 =	vld [tilespmem:s21+$0x250]  }
0x8d: {  	[tilespmem:$0x1F890] =	vst v0;
	v0 =	vld [tilespmem:s21+$0x7A0];
	_ =	sdelay $0x2  }
0x8e: {  	v3 =	vld [tilespmem:s21+$0x870]  }
0x8f: {  	[tilespmem:$0x1FFA0] =	vst v2;
	v2 =	vld [tilespmem:s21+$0x4250]  }
0x90: {  	[tilespmem:$0x1FA90] =	vst v0;
	v0 =	vld [tilespmem:s21+$0x47A0]  }
0x91: {  	v7 =	vld [tilespmem:s21+$0x860]  }
0x92: {  	v10 =	vld [tilespmem:s21+$0x4860]  }
0x93: {  	v13 =	vld [tilespmem:s21+$0x800]  }
0x94: {  	[tilespmem:$0x1FFB0] =	vst v2;
	v2 =	vld [tilespmem:s21+$0x2C0]  }
0x95: {  	[tilespmem:$0x1FAA0] =	vst v0;
	v0 =	vld [tilespmem:s21+$0x4800]  }
0x96: {  	v6 =	vld [tilespmem:s21+$0x8B0]  }
0x97: {  	v12 =	vld [tilespmem:s21+$0x48B0]  }
0x98: {  	v61 =	vld [tilespmem:s21+$0x6F0]  }
0x99: {  	[tilespmem:$0x1FFD0] =	vst v2;
	v2 =	vld [tilespmem:s21+$0x42C0]  }
0x9a: {  	v13 =	vmul.f32 v0, v13;
	v0 =	vld [tilespmem:$0x1F940]  }
0x9b: {  	v5 =	vld [tilespmem:s21+$0x4870];
	_ =	sdelay $0x1  }
0x9c: {  	v16 =	vld [tilespmem:s21+$0x760]  }
0x9d: {  	v9 =	vld [tilespmem:s21+$0x810];
	[tilespmem:$0x1FFE0] =	vst v2;
	v2 =	vmul.f32 v10, v7  }
0x9e: {  	v8 =	vld [tilespmem:s21+$0x4810];
	v10 =	vmul.f32 v0, v61;
	v0 =	vmul.f32 v12, v6  }
0x9f: {  	v3 =	vmul.f32 v5, v3;
	v5 =	vld [tilespmem:s21+$0x330]  }
0xa0: {  	[tilespmem:$0x1F950] =	vst v0;
	v0 =	vld [tilespmem:$0x1F960]  }
0xa1: {  	v54 =	vld [tilespmem:s21+$0x840]  }
0xa2: {  	v24 =	vld [tilespmem:s21+$0x820]  }
0xa3: {  	v23 =	vld [tilespmem:s21+$0x4820]  }
0xa4: {  	[tilespmem:$0x1F920] =	vst v5;
	v5 =	vld [tilespmem:s21+$0x4330]  }
0xa5: {  	v8 =	vmul.f32 v8, v9;
	v9 =	vmul.f32 v0, v16;
	v0 =	vld [tilespmem:$0x1F970];
	_ =	sdelay $0x3  }
0xa6: {  	[tilespmem:$0x1F930] =	vst v5;
	v5 =	vld [tilespmem:$0x1F990]  }
0xa7: {  	v8 =	vadd.f32 v8, v13;
	v13 =	vmul.f32 v23, v24;
	v23 =	vmul.f32 v0, v54;
	v0 =	vld [tilespmem:$0x1F980]  }
0xa8: {  	v59 =	vld [tilespmem:s21+$0x850]  }
0xa9: {  	v45 =	vld [tilespmem:s21+$0x4850]  }
0xaa: {  	v14 =	vld [tilespmem:s21+$0x750]  }
0xab: {  	v51 =	vld [tilespmem:s21+$0x830]  }
0xac: {  	v1 =	vld [tilespmem:s21+$0x4830];
	v0 =	vmul.f32 v5, v0  }
0xad: {  	v5 =	vld [tilespmem:$0x1F9C0]  }
0xae: {  	[tilespmem:$0x1F9A0] =	vst v0;
	v0 =	vld [tilespmem:$0x1F9B0]  }
0xaf: {  	v38 =	vld [tilespmem:s21+$0x740]  }
0xb0: {  	v57 =	vld [tilespmem:s21+$0x4740]  }
0xb1: {  	v55 =	vld [tilespmem:s21+$0x7B0]  }
0xb2: {  	v48 =	vld [tilespmem:s21+$0x47B0]  }
0xb3: {  	v7 =	vmul.f32 v5, v0;
	v0 =	vld [tilespmem:$0x1F9D0]  }
0xb4: {  	v53 =	vld [tilespmem:s21+$0x570]  }
0xb5: {  	v52 =	vld [tilespmem:s21+$0x4570]  }
0xb6: {  	v41 =	vld [tilespmem:s21+$0x720]  }
0xb7: {  	v8 =	vadd.f32 v13, v8;
	v13 =	vmul.f32 v1, v51;
	v1 =	vld [tilespmem:$0x1F9F0]  }
0xb8: {  	v6 =	vmul.f32 v0, v14;
	v0 =	vld [tilespmem:$0x1F9E0]  }
0xb9: {  	v35 =	vld [tilespmem:s21+$0x4720]  }
0xba: {  	v60 =	vld [tilespmem:s21+$0x4780]  }
0xbb: {  	v62 =	vld [tilespmem:s21+$0x790]  }
0xbc: {  	v56 =	vld [tilespmem:s21+$0x4790]  }
0xbd: {  	v51 =	vmul.f32 v1, v0;
	v0 =	vld [tilespmem:$0x1FA00]  }
0xbe: {  	v1 =	vld [tilespmem:$0x1FA10]  }
0xbf: {  	v33 =	vld [tilespmem:s21+$0x6A0]  }
0xc0: {  	v32 =	vld [tilespmem:s21+$0x46A0]  }
0xc1: {  	v18 =	vld [tilespmem:s21+$0x680]  }
0xc2: {  	v8 =	vadd.f32 v13, v8;
	v5 =	vld [tilespmem:$0x1FA30]  }
0xc3: {  	v1 =	vmul.f32 v1, v0;
	v0 =	vld [tilespmem:$0x1FA20]  }
0xc4: {  	v17 =	vld [tilespmem:s21+$0x690];
	v59 =	vmul.f32 v45, v59;
	v8 =	vadd.f32 v23, v8  }
0xc5: {  	v4 =	vld [tilespmem:s21+$0x4690]  }
0xc6: {  	v15 =	vld [tilespmem:s21+$0x4680];
	v8 =	vadd.f32 v59, v8  }
0xc7: {  	v40 =	vld [tilespmem:s21+$0x700]  }
0xc8: {  	v31 =	vld [tilespmem:s21+$0x4700];
	v2 =	vadd.f32 v2, v8;
	v0 =	vmul.f32 v5, v0  }
0xc9: {  	v29 =	vld [tilespmem:s21+$0x710];
	v57 =	vmul.f32 v57, v38;
	v38 =	vmul.f32 v52, v53  }
0xca: {  	v52 =	vadd.f32 v0, v1;
	v1 =	vmul.f32 v4, v17;
	v17 =	vadd.f32 v3, v2;
	v2 =	vld [tilespmem:$0x1FAC0]  }
0xcb: {  	v13 =	vmul.f32 v48, v55;
	v0 =	vmul.f32 v15, v18;
	v3 =	vld [tilespmem:$0x1FAD0]  }
0xcc: {  	v28 =	vld [tilespmem:s21+$0x4710]  }
0xcd: {  	[tilespmem:$0x1FA70] =	vst v13;
	v13 =	vld [tilespmem:s21+$0x240];
	v0 =	vadd.f32 v1, v0;
	v1 =	vmul.f32 v32, v33  }
0xce: {  	v4 =	vld [tilespmem:s21+$0x320]  }
0xcf: {  	v0 =	vadd.f32 v1, v0;
	v1 =	vld [tilespmem:$0x1FB00]  }
0xd0: {  	v18 =	vmul.f32 v3, v2;
	v2 =	vld [tilespmem:$0x1FAE0]  }
0xd1: {  	v3 =	vld [tilespmem:$0x1FAF0]  }
0xd2: {  	v31 =	vmul.f32 v31, v40;
	v28 =	vmul.f32 v28, v29;
	[tilespmem:$0x1FFF0] =	vst v13;
	v13 =	vld [tilespmem:$0x1FA90]  }
0xd3: {  	v15 =	vld [tilespmem:$0x1FAA0]  }
0xd4: {  	v8 =	vmul.f32 v35, v41;
	[tilespmem:$0x1FA80] =	vst v4;
	v4 =	vadd.f32 v28, v31  }
0xd5: {  	v1 =	vmul.f32 v60, v1  }
0xd6: {  	v47 =	vld [tilespmem:s21+$0x6C0];
	v2 =	vmul.f32 v3, v2;
	v3 =	vadd.f32 v8, v4;
	v4 =	vmul.f32 v56, v62  }
0xd7: {  	v46 =	vld [tilespmem:s21+$0x46C0]  }
0xd8: {  	v35 =	vmul.f32 v15, v13;
	v13 =	vld [tilespmem:s21+$0x4320];
	v1 =	vadd.f32 v4, v1  }
0xd9: {  	v0 =	vadd.f32 v2, v0;
	v2 =	vld [tilespmem:$0x1FB90]  }
0xda: {  	[tilespmem:$0x1FB70] =	vst v1;
	v1 =	vld [tilespmem:$0x1FB80]  }
0xdb: {  	v42 =	vld [tilespmem:s21+$0x730]  }
0xdc: {  	v37 =	vld [tilespmem:s21+$0x4730]  }
0xdd: {  	v8 =	vld [tilespmem:$0x1FB10]  }
0xde: {  	[tilespmem:$0x1FAB0] =	vst v13;
	v13 =	vld [tilespmem:$0x1FB20]  }
0xdf: {  	v62 =	vmul.f32 v2, v1;
	v1 =	vld [tilespmem:$0x1FBA0]  }
0xe0: {  	v2 =	vld [tilespmem:$0x1FBB0]  }
0xe1: {  	v22 =	vld [tilespmem:s21+$0x580]  }
0xe2: {  	v20 =	vld [tilespmem:s21+$0x4580]  }
0xe3: {  	v28 =	vld [tilespmem:$0x1FB40]  }
0xe4: {  	v37 =	vmul.f32 v37, v42;
	v8 =	vmul.f32 v13, v8;
	v13 =	vld [tilespmem:$0x1FB30]  }
0xe5: {  	v2 =	vmul.f32 v2, v1;
	v1 =	vld [tilespmem:s21+$0x4140]  }
0xe6: {  	v23 =	vmul.f32 v46, v47;
	v3 =	vadd.f32 v37, v3  }
0xe7: {  	v29 =	vld [tilespmem:$0x1FB60]  }
0xe8: {  	v4 =	vadd.f32 v57, v3;
	v3 =	vmul.f32 v20, v22;
	v20 =	vadd.f32 v23, v0;
	v0 =	vld [tilespmem:$0x1FBD0]  }
0xe9: {  	v59 =	vmul.f32 v28, v13;
	v13 =	vld [tilespmem:$0x1FB50]  }
0xea: {  	[tilespmem:$0x1FBC0] =	vst v1;
	v1 =	vld [tilespmem:$0x1FBE0]  }
0xeb: {  	v11 =	vld [tilespmem:s21+$0x770]  }
0xec: {  	v39 =	vld [tilespmem:s21+$0x4770]  }
0xed: {  	v58 =	vld [tilespmem:s21+$0x46D0]  }
0xee: {  	v32 =	vmul.f32 v29, v13;
	v13 =	vld [tilespmem:$0x1FC00]  }
0xef: {  	v1 =	vmul.f32 v1, v0;
	v0 =	vld [tilespmem:$0x1FBF0]  }
0xf0: {  	v50 =	vld [tilespmem:s21+$0x5A0]  }
0xf1: {  	v34 =	vld [tilespmem:s21+$0x45A0]  }
0xf2: {  	v5 =	vld [tilespmem:s21+$0x150]  }
0xf3: {  	v6 =	vadd.f32 v6, v4;
	v4 =	vld [tilespmem:$0x1FC20]  }
0xf4: {  	v0 =	vmul.f32 v13, v0;
	v13 =	vld [tilespmem:$0x1FC30]  }
0xf5: {  	v21 =	vld [tilespmem:s21+$0x590]  }
0xf6: {  	v19 =	vld [tilespmem:s21+$0x4590]  }
0xf7: {  	v12 =	vld [tilespmem:$0x1FA50]  }
0xf8: {  	[tilespmem:$0x1FFC0] =	vst v5;
	v5 =	vld [tilespmem:$0x1FA40]  }
0xf9: {  	v31 =	vmul.f32 v13, v4;
	v4 =	vld [tilespmem:$0x1FC40]  }
0xfa: {  	v13 =	vld [tilespmem:$0x1FC50]  }
0xfb: {  	v27 =	vld [tilespmem:s21+$0x510]  }
0xfc: {  	v25 =	vld [tilespmem:s21+$0x4510]  }
0xfd: {  	v12 =	vmul.f32 v12, v5;
	v5 =	vld [tilespmem:$0x1FA60]  }
0xfe: {  	v6 =	vadd.f32 v9, v6;
	v9 =	vld [tilespmem:$0x1FC70]  }
0xff: {  	v19 =	vmul.f32 v19, v21;
	v21 =	vmul.f32 v13, v4;
	v4 =	vld [tilespmem:$0x1FC60];
	_ =	sdelay $0x1  }
0x100: {  	v49 =	vld [tilespmem:s21+$0x5E0];
	v11 =	vmul.f32 v39, v11;
	v3 =	vadd.f32 v19, v3;
	v19 =	vmul.f32 v34, v50  }
0x101: {  	v44 =	vld [tilespmem:s21+$0x45E0];
	v5 =	vmul.f32 v58, v5  }
0x102: {  	v3 =	vadd.f32 v19, v3;
	v19 =	vmul.f32 v25, v27;
	v25 =	vadd.f32 v11, v6;
	v6 =	vld [tilespmem:$0x1FC90]  }
0x103: {  	v5 =	vadd.f32 v5, v20;
	v9 =	vmul.f32 v9, v4;
	v4 =	vld [tilespmem:$0x1FC80];
	_ =	sdelay $0x1  }
0x104: {  	v5 =	vadd.f32 v7, v5;
	_ =	sdelay $0x1  }
0x105: {  	v55 =	vmul.f32 v44, v49;
	v44 =	vadd.f32 v10, v5;
	v5 =	vld [tilespmem:$0x1FCB0]  }
0x106: {  	v34 =	vmul.f32 v6, v4;
	v4 =	vld [tilespmem:$0x1FCA0];
	_ =	sdelay $0x1  }
0x107: {  	v3 =	vadd.f32 v9, v3;
	_ =	sdelay $0x1  }
0x108: {  	v2 =	vadd.f32 v2, v3;
	v3 =	vld [tilespmem:$0x1FCC0]  }
0x109: {  	v13 =	vmul.f32 v5, v4;
	v4 =	vld [tilespmem:$0x1FCD0];
	_ =	sdelay $0x1  }
0x10a: {  	v30 =	vld [tilespmem:s21+$0x500]  }
0x10b: {  	v26 =	vld [tilespmem:s21+$0x4500]  }
0x10c: {  	v5 =	vld [tilespmem:$0x1FCF0]  }
0x10d: {  	v3 =	vmul.f32 v4, v3;
	v4 =	vld [tilespmem:$0x1FCE0]  }
0x10e: {  	v36 =	vld [tilespmem:s21+$0x520]  }
0x10f: {  	v43 =	vld [tilespmem:s21+$0x4520];
	_ =	sdelay $0x1  }
0x110: {  	v9 =	vld [tilespmem:$0x1FD10]  }
0x111: {  	v7 =	vmul.f32 v26, v30;
	v10 =	vmul.f32 v5, v4;
	v4 =	vld [tilespmem:$0x1FD00];
	_ =	sdelay $0x1  }
0x112: {  	v6 =	vadd.f32 v19, v7;
	v7 =	vmul.f32 v43, v36;
	_ =	sdelay $0x1  }
0x113: {  	v6 =	vadd.f32 v7, v6;
	v7 =	vld [tilespmem:$0x1FD30]  }
0x114: {  	v19 =	vmul.f32 v9, v4;
	v4 =	vld [tilespmem:$0x1FD20];
	_ =	sdelay $0x3  }
0x115: {  	v11 =	vld [tilespmem:$0x1FD50]  }
0x116: {  	v7 =	vmul.f32 v7, v4;
	v4 =	vld [tilespmem:$0x1FD40];
	_ =	sdelay $0x1  }
0x117: {  	v3 =	vadd.f32 v10, v3;
	_ =	sdelay $0x1  }
0x118: {  	[tilespmem:$0x1FD60] =	vst v3;
	v3 =	vld [tilespmem:$0x1FD70]  }
0x119: {  	v36 =	vmul.f32 v11, v4;
	v4 =	vld [tilespmem:$0x1FD80];
	_ =	sdelay $0x3  }
0x11a: {  	v2 =	vadd.f32 v8, v2;
	v8 =	vld [tilespmem:$0x1FDA0]  }
0x11b: {  	v3 =	vmul.f32 v4, v3;
	v4 =	vld [tilespmem:$0x1FD90];
	_ =	sdelay $0x3  }
0x11c: {  	v6 =	vadd.f32 v7, v6;
	v7 =	vld [tilespmem:$0x1FDC0]  }
0x11d: {  	v27 =	vmul.f32 v8, v4;
	v4 =	vld [tilespmem:$0x1FDB0];
	_ =	sdelay $0x4  }
0x11e: {  	v10 =	vmul.f32 v7, v4;
	v4 =	vld [tilespmem:$0x1FDD0]  }
0x11f: {  	v7 =	vld [tilespmem:$0x1FDE0];
	_ =	sdelay $0x4  }
0x120: {  	v42 =	vld [tilespmem:s21+$0x4380];
	v4 =	vmul.f32 v7, v4  }
0x121: {  	v7 =	vadd.f32 v55, v2;
	v2 =	vld [tilespmem:$0x1FE00]  }
0x122: {  	[tilespmem:$0x1FDF0] =	vst v4;
	v4 =	vld [tilespmem:$0x1FE10]  }
0x123: {  	v24 =	vld [tilespmem:s21+$0x400]  }
0x124: {  	v61 =	vld [tilespmem:s21+$0x410]  }
0x125: {  	v15 =	vld [tilespmem:s21+$0x380]  }
0x126: {  	v8 =	vld [tilespmem:$0x1FE30]  }
0x127: {  	v2 =	vmul.f32 v4, v2;
	v4 =	vld [tilespmem:$0x1FE20]  }
0x128: {  	v16 =	vld [tilespmem:s21+$0x4400]  }
0x129: {  	v14 =	vld [tilespmem:s21+$0x4410];
	_ =	sdelay $0x1  }
0x12a: {  	v6 =	vadd.f32 v21, v6;
	v21 =	vadd.f32 v12, v7;
	v7 =	vmul.f32 v42, v15;
	v15 =	vld [tilespmem:$0x1FE50]  }
0x12b: {  	v8 =	vmul.f32 v8, v4;
	v4 =	vld [tilespmem:$0x1FE40];
	_ =	sdelay $0x1  }
0x12c: {  	v14 =	vmul.f32 v14, v61;
	v11 =	vmul.f32 v16, v24;
	_ =	sdelay $0x1  }
0x12d: {  	v11 =	vadd.f32 v14, v11;
	v14 =	vld [tilespmem:$0x1FE70]  }
0x12e: {  	v24 =	vmul.f32 v15, v4;
	v4 =	vld [tilespmem:$0x1FE60];
	_ =	sdelay $0x1  }
0x12f: {  	v6 =	vadd.f32 v62, v6  }
0x130: {  	v56 =	vld [tilespmem:s21+$0x390]  }
0x131: {  	v15 =	vadd.f32 v18, v6;
	v6 =	vld [tilespmem:$0x1FE90]  }
0x132: {  	v14 =	vmul.f32 v14, v4;
	v4 =	vld [tilespmem:$0x1FE80]  }
0x133: {  	v28 =	vld [tilespmem:s21+$0x4390]  }
0x134: {  	v39 =	vld [tilespmem:s21+$0x3A0]  }
0x135: {  	v45 =	vld [tilespmem:s21+$0x43A0];
	_ =	sdelay $0x1  }
0x136: {  	v11 =	vadd.f32 v14, v11;
	v14 =	vmul.f32 v6, v4;
	v4 =	vld [tilespmem:$0x1FEA0]  }
0x137: {  	v12 =	vmul.f32 v28, v56;
	v6 =	vld [tilespmem:$0x1FEB0];
	_ =	sdelay $0x1  }
0x138: {  	v7 =	vadd.f32 v12, v7;
	v12 =	vmul.f32 v45, v39;
	_ =	sdelay $0x1  }
0x139: {  	v22 =	vadd.f32 v12, v7;
	v7 =	vld [tilespmem:$0x1FED0]  }
0x13a: {  	v6 =	vmul.f32 v6, v4;
	v4 =	vld [tilespmem:$0x1FEC0];
	_ =	sdelay $0x4  }
0x13b: {  	v26 =	vmul.f32 v7, v4;
	v4 =	vld [tilespmem:$0x1FEE0]  }
0x13c: {  	v7 =	vld [tilespmem:$0x1FEF0];
	_ =	sdelay $0x1  }
0x13d: {  	v63 =	vld [tilespmem:s21+$0x8D0]  }
0x13e: {  	v53 =	vld [tilespmem:s21+$0x230]  }
0x13f: {  	v40 =	vld [tilespmem:s21+$0x42A0]  }
0x140: {  	v11 =	vadd.f32 v14, v11;
	v14 =	vmul.f32 v7, v4;
	v4 =	vld [tilespmem:$0x1FF00]  }
0x141: {  	v7 =	vld [tilespmem:$0x1FF10]  }
0x142: {  	v48 =	vld [tilespmem:s21+$0x2B0]  }
0x143: {  	v49 =	vld [tilespmem:s21+$0x4310]  }
0x144: {  	v54 =	vld [tilespmem:s21+$0x4240]  }
0x145: {  	v46 =	vld [tilespmem:s21+$0x42B0]  }
0x146: {  	v18 =	vadd.f32 v38, v15;
	v15 =	vmul.f32 v7, v4;
	v4 =	vld [tilespmem:$0x1FF20]  }
0x147: {  	v7 =	vld [tilespmem:$0x1FF30]  }
0x148: {  	v47 =	vld [tilespmem:s21+$0x4300]  }
0x149: {  	v41 =	vld [tilespmem:s21+$0x4100]  }
0x14a: {  	v33 =	vld [tilespmem:s21+$0x4200]  }
0x14b: {  	v12 =	vld [tilespmem:$0x1FF50]  }
0x14c: {  	v7 =	vmul.f32 v7, v4;
	v4 =	vld [tilespmem:$0x1FF40]  }
0x14d: {  	(xrf2) =	vadd.scan.msk.f32 $0xffff, v17;
	v17 =	vld [tilespmem:s21+$0x180]  }
0x14e: {  	v60 =	vld [tilespmem:s21+$0x140]  }
0x14f: {  	v37 =	vld [tilespmem:s21+$0x310]  }
0x150: {  	v26 =	vadd.f32 v26, v22;
	v22 =	vld [tilespmem:$0x1FF70]  }
0x151: {  	v12 =	vmul.f32 v12, v4;
	v4 =	vld [tilespmem:$0x1FF60]  }
0x152: {  	v58 =	vld [tilespmem:s21+$0x4150]  }
0x153: {  	v57 =	vld [tilespmem:s21+$0x2A0]  }
0x154: {  	v23 =	vld [tilespmem:s21+$0x300]  }
0x155: {  	v38 =	vadd.f32 v10, v11;
	v11 =	vld [tilespmem:$0x1FF90]  }
0x156: {  	v22 =	vmul.f32 v22, v4;
	v4 =	vld [tilespmem:$0x1FF80]  }
0x157: {  	v20 =	vld [tilespmem:s21+$0x220]  }
0x158: {  	v50 =	vld [tilespmem:s21+$0x4220]  }
0x159: {  	v30 =	vld [tilespmem:s21+$0x280]  }
0x15a: {  	v10 =	vadd.f32 v15, v14;
	v14 =	vld [tilespmem:$0x1FFB0]  }
0x15b: {  	v11 =	vmul.f32 v11, v4;
	v4 =	vld [tilespmem:$0x1FFA0]  }
0x15c: {  	(xrf2) =	vadd.scan.msk.f32 $0xffff, v25;
	v25 =	vld [tilespmem:s21+$0x190]  }
0x15d: {  	v29 =	vld [tilespmem:s21+$0x4290]  }
0x15e: {  	[tilespmem:$0x1FC10] =	vst v0;
	v0 =	vld [tilespmem:s21+$0x4230]  }
0x15f: {  	v43 =	vld [tilespmem:s21+$0x120]  }
0x160: {  	v15 =	vmul.f32 v14, v4;
	v4 =	vld [tilespmem:$0x1FFC0]  }
0x161: {  	v5 =	vld [tilespmem:s21+$0x130]  }
0x162: {  	v9 =	vld [tilespmem:s21+$0x4130]  }
0x163: {  	v16 =	vld [tilespmem:s21+$0x290]  }
0x164: {  	v61 =	vadd.f32 v24, v26;
	v24 =	vld [tilespmem:$0x1FFE0]  }
0x165: {  	v14 =	vmul.f32 v58, v4;
	v4 =	vld [tilespmem:$0x1FFD0]  }
0x166: {  	v62 =	vld [tilespmem:s21+$0x4210]  }
0x167: {  	v55 =	vld [tilespmem:s21+$0x4280]  }
0x168: {  	v56 =	vld [tilespmem:s21+$0x200]  }
0x169: {  	v28 =	vld [tilespmem:s21+$0x210]  }
0x16a: {  	v24 =	vmul.f32 v24, v4;
	v4 =	vld [tilespmem:$0x1FFF0]  }
0x16b: {  	v29 =	vmul.f32 v29, v16;
	v42 =	vld [tilespmem:s21+$0x100];
	v19 =	vadd.f32 v19, v38  }
0x16c: {  	v39 =	vld [tilespmem:s21+$0x4120];
	v45 =	vmul.f32 v40, v57;
	v30 =	vmul.f32 v55, v30  }
0x16d: {  	(xrf2) =	vadd.scan.msk.f32 $0xffff, v44;
	v44 =	vmul.f32 v33, v56;
	v38 =	vld [tilespmem:s21+$0x4110];
	v58 =	vadd.f32 v27, v61;
	v61 =	vadd.f32 v31, v19  }
0x16e: {  	v30 =	vadd.f32 v29, v30;
	v26 =	vld [tilespmem:s21+$0x110];
	v27 =	vmul.f32 v46, v48;
	v46 =	vmul.f32 v62, v28  }
0x16f: {  	s22 =	simm.s32 $0x1;
	v19 =	vld [tilespmem:s21+$0x4180];
	v40 =	vadd.f32 v13, v58;
	v13 =	vadd.f32 v32, v61;
	v16 =	vmul.f32 v54, v4  }
.LBB2_3:
0x170: {  	_ = 	snop  }
0x171: {  	v30 =	vadd.f32 v45, v30;
	v44 =	vadd.f32 v46, v44;
	v20 =	vmul.f32 v50, v20  }
0x172: {  	v40 =	vadd.f32 v1, v40  }
0x173: {  	v27 =	vadd.f32 v27, v30;
	v1 =	vmul.f32 v0, v53;
	v20 =	vadd.f32 v20, v44;
	_ =	sdelay $0x1  }
0x174: {  	v24 =	vadd.f32 v24, v27;
	v4 =	vadd.f32 v1, v20  }
0x175: {  	v41 =	vmul.f32 v41, v42;
	v26 =	vmul.f32 v38, v26  }
0x176: {  	(xrf2) =	vadd.scan.msk.f32 $0xffff, v21;
	v20 =	vadd.f32 v22, v24;
	v16 =	vadd.f32 v16, v4;
	v4 =	vld [tilespmem:$0x1FBC0]  }
0x177: {  	v28, _, _ =	vpop (xrf2);
	(xrf2) =	vadd.scan.msk.f32 $0xffff, v18;
	v18 =	vadd.f32 v26, v41;
	v26 =	vmul.f32 v39, v43  }
0x178: {  	v48 =	vld [tilespmem:s21+$0x4190];
	v8 =	vadd.f32 v8, v20  }
0x179: {  	v21 =	vld [tilespmem:s21+$0x1A0];
	v5 =	vmul.f32 v9, v5;
	v18 =	vadd.f32 v26, v18  }
0x17a: {  	v8 =	vadd.f32 v3, v8;
	v3 =	vld [tilespmem:$0x1FA80]  }
0x17b: {  	v5 =	vadd.f32 v5, v18;
	v18 =	vmul.f32 v4, v60;
	v4 =	vld [tilespmem:$0x1FAB0]  }
0x17c: {  	v54 =	vld [tilespmem:s21+$0x41B0]  }
0x17d: {  	v30 =	vld [tilespmem:s21+$0x1B0];
	v23 =	vmul.f32 v47, v23;
	v37 =	vmul.f32 v49, v37  }
0x17e: {  	v50 =	vld [tilespmem:s21+$0x41A0]  }
0x17f: {  	v17 =	vmul.f32 v19, v17;
	v9 =	vld [tilespmem:s21+$0x41C0];
	v19 =	vmul.f32 v48, v25;
	v23 =	vadd.f32 v37, v23  }
0x180: {  	v25 =	vld [tilespmem:s21+$0x1C0];
	v15 =	vadd.f32 v15, v16;
	v5 =	vadd.f32 v18, v5;
	v18 =	vmul.f32 v4, v3  }
0x181: {  	v4 =	vld [tilespmem:$0x1F920]  }
0x182: {  	v12 =	vadd.f32 v12, v15;
	v15 =	vadd.f32 v18, v23;
	v18 =	vld [tilespmem:$0x1F930]  }
0x183: {  	v0, _, _ =	vpop (xrf2);
	(xrf2) =	vadd.scan.msk.f32 $0xffff, v13;
	v13 =	vadd.f32 v19, v17;
	v19 =	vld [tilespmem:s21+$0x1D0];
	v17 =	vmul.f32 v50, v21  }
0x184: {  	v21 =	vld [tilespmem:s21+$0x41D0]  }
0x185: {  	v13 =	vadd.f32 v17, v13;
	v17 =	vmul.f32 v54, v30;
	_ =	sdelay $0x1  }
0x186: {  	v9 =	vmul.f32 v9, v25;
	v22 =	vadd.f32 v17, v13;
	v18 =	vmul.f32 v18, v4  }
0x187: {  	v1, _, _ =	vpop (xrf2);
	(xrf2) =	vadd.scan.msk.f32 $0xffff, v40;
	v5 =	vadd.f32 v14, v5;
	v4 =	vld [tilespmem:$0x1F900]  }
0x188: {  	v3, _, _ =	vpop (xrf2);
	(xrf2) =	vadd.scan.msk.f32 $0xffff, v8;
	v8 =	vadd.f32 v9, v22;
	v9 =	vmul.f32 v21, v19;
	v19 =	vadd.f32 v18, v15;
	v15 =	vld [tilespmem:$0x1F910];
	_ =	sdelay $0x1  }
0x189: {  	v2 =	vadd.f32 v2, v12;
	v5 =	vadd.f32 v11, v5;
	_ =	sdelay $0x1  }
0x18a: {  	v13, _, _ =	vpop (xrf2);
	(xrf2) =	vadd.scan.msk.f32 $0xffff, v2;
	v2 =	vadd.f32 v7, v5;
	v7 =	vld [tilespmem:$0x1F8F0]  }
0x18b: {  	v15 =	vmul.f32 v15, v4;
	v4 =	vld [tilespmem:$0x1F8E0];
	_ =	sdelay $0x4  }
0x18c: {  	v7 =	vmul.f32 v7, v4;
	v4 =	vld [tilespmem:$0x1FDF0];
	_ =	sdelay $0x1  }
0x18d: {  	v20 =	vld [tilespmem:s21+$0x1E0]  }
0x18e: {  	v6 =	vadd.f32 v6, v10;
	v16 =	vld [tilespmem:s21+$0x41E0]  }
0x18f: {  	v12 =	vld [tilespmem:s21+$0x4360]  }
0x190: {  	v6 =	vadd.f32 v4, v6;
	v4 =	vld [tilespmem:$0x1F8D0]  }
0x191: {  	v17 =	vld [tilespmem:s21+$0x1F0]  }
0x192: {  	v14 =	vld [tilespmem:s21+$0x41F0]  }
0x193: {  	v5 =	vadd.f32 v15, v19  }
0x194: {  	v8 =	vadd.f32 v9, v8  }
0x195: {  	v9 =	vmul.f32 v16, v20;
	v5 =	vadd.f32 v7, v5;
	v7 =	vmul.f32 v12, v4;
	v4 =	vld [tilespmem:$0x1FD60];
	_ =	sdelay $0x1  }
0x196: {  	v8 =	vadd.f32 v9, v8;
	v9 =	vmul.f32 v14, v17;
	_ =	sdelay $0x1  }
0x197: {  	v11, _, _ =	vpop (xrf2);
	(xrf2) =	vadd.scan.msk.f32 $0xffff, v2;
	v2 =	vadd.f32 v9, v8;
	v8 =	vld [tilespmem:$0x1F8C0]  }
0x198: {  	v15 =	vadd.f32 v34, v4;
	v4 =	vld [tilespmem:$0x1F8B0];
	_ =	sdelay $0x4  }
0x199: {  	v8 =	vmul.f32 v8, v4;
	v4 =	vld [tilespmem:$0x1FC10];
	_ =	sdelay $0x3  }
0x19a: {  	v10 =	vld [tilespmem:s21+$0x44E0]  }
0x19b: {  	v15 =	vadd.f32 v4, v15;
	v4 =	vld [tilespmem:$0x1F8A0]  }
0x19c: {  	v16 =	vld [tilespmem:s21+$0x4370]  }
0x19d: {  	v18 =	vld [tilespmem:s21+$0x370]  }
0x19e: {  	v6 =	vadd.f32 v36, v6;
	_ =	sdelay $0x1  }
0x19f: {  	v6 =	vadd.f32 v8, v6;
	v8 =	vmul.f32 v10, v4;
	v4 =	vld [tilespmem:$0x1FB70];
	_ =	sdelay $0x1  }
0x1a0: {  	v5 =	vadd.f32 v7, v5;
	v7 =	vmul.f32 v16, v18;
	_ =	sdelay $0x1  }
0x1a1: {  	v17, _, _ =	vpop (xrf2);
	(xrf2) =	vadd.scan.msk.f32 $0xffff, v2;
	v2 =	vadd.f32 v7, v5;
	v7 =	vld [tilespmem:$0x1F890]  }
0x1a2: {  	v18 =	vadd.f32 v35, v4;
	v4 =	vld [tilespmem:$0x1F880];
	_ =	sdelay $0x1  }
0x1a3: {  	v14 =	vld [tilespmem:s21+$0x4F0]  }
0x1a4: {  	v9 =	vld [tilespmem:s21+$0x4660]  }
0x1a5: {  	v12 =	vld [tilespmem:s21+$0x44F0]  }
0x1a6: {  	v7 =	vmul.f32 v7, v4;
	v4 =	vld [tilespmem:$0x1FA70]  }
0x1a7: {  	v16 =	vld [tilespmem:s21+$0x670]  }
0x1a8: {  	v5 =	vadd.f32 v59, v15;
	v15 =	vld [tilespmem:s21+$0x47E0]  }
0x1a9: {  	v19, _, _ =	vpop (xrf2);
	v10 =	vld [tilespmem:s21+$0x4670]  }
0x1aa: {  	v6 =	vadd.f32 v8, v6;
	v8 =	vmul.f32 v12, v14;
	v14 =	vld [tilespmem:s21+$0x7F0]  }
0x1ab: {  	v12 =	vadd.f32 v4, v18;
	v4 =	vld [tilespmem:$0x1F870];
	_ =	sdelay $0x4  }
0x1ac: {  	v5 =	vadd.f32 v7, v5;
	v7 =	vmul.f32 v9, v4;
	v4 =	vld [tilespmem:$0x1F9A0];
	_ =	sdelay $0x3  }
0x1ad: {  	(xrf2) =	vadd.scan.msk.f32 $0xffff, v2;
	v2 =	vadd.f32 v8, v6;
	v8 =	vld [tilespmem:$0x1F860]  }
0x1ae: {  	v18 =	vadd.f32 v4, v52;
	v4 =	vld [tilespmem:$0x1F850];
	_ =	sdelay $0x3  }
0x1af: {  	v5 =	vadd.f32 v7, v5;
	v7 =	vmul.f32 v10, v16;
	v10 =	vld [tilespmem:$0x1F830]  }
0x1b0: {  	v8 =	vmul.f32 v8, v4;
	v4 =	vld [tilespmem:$0x1F820];
	_ =	sdelay $0x4  }
0x1b1: {  	v10 =	vmul.f32 v10, v4;
	v4 =	vld [tilespmem:$0x1F840];
	_ =	sdelay $0x2  }
0x1b2: {  	v6 =	vadd.f32 v51, v12;
	_ =	sdelay $0x1  }
0x1b3: {  	v6 =	vadd.f32 v8, v6;
	v8 =	vmul.f32 v15, v4;
	v4 =	vld [tilespmem:$0x1F950];
	_ =	sdelay $0x3  }
0x1b4: {  	v9 =	vld [tilespmem:s21+$0x47F0]  }
0x1b5: {  	v15 =	vadd.f32 v4, v18;
	v4 =	vld [tilespmem:$0x1F810]  }
0x1b6: {  	v12 =	vld [tilespmem:s21+$0x8E0]  }
0x1b7: {  	v16 =	vld [tilespmem:s21+$0x48E0]  }
0x1b8: {  	v20, _, _ =	vpop (xrf2);
	(xrf2) =	vadd.scan.msk.f32 $0xffff, v2;
	v2 =	vadd.f32 v7, v5;
	v7 =	vld [tilespmem:s21+$0x48F0]  }
0x1b9: {  	v6 =	vadd.f32 v8, v6;
	v18 =	vld [tilespmem:s21+$0x8F0]  }
0x1ba: {  	v5 =	vmul.f32 v4, v63;
	v4 =	vmul.f32 v9, v14;
	v9 =	vadd.f32 v10, v15  }
0x1bb: {  	v21, _, _ =	vpop (xrf2);
	(xrf2) =	vadd.scan.msk.f32 $0xffff, v2  }
0x1bc: {  	v8, _, _ =	vpop (xrf2);
	v2 =	vadd.f32 v4, v6;
	v5 =	vadd.f32 v5, v9;
	v6 =	vmul.f32 v16, v12  }
0x1bd: {  	v9 =	vbroadcast v21, $0xF;
	v4 =	vbroadcast v8, $0xF  }
0x1be: {  	v10 =	vbroadcast v20, $0xF;
	v5 =	vadd.f32 v6, v5;
	v6 =	vmul.f32 v7, v18;
	(xrf2) =	vadd.scan.msk.f32 $0xffff, v2  }
0x1bf: {  	v8, _, _ =	vpop (xrf2);
	v2 =	vsel vm0, v9, v4;
	v7 =	vbroadcast v19, $0xF  }
0x1c0: {  	v4 =	vbroadcast v8, $0xF;
	v2 =	vsel vm1, v2, v10;
	v5 =	vadd.f32 v6, v5  }
0x1c1: {  	v2 =	vsel vm2, v2, v7;
	v6 =	vbroadcast v17, $0xF  }
0x1c2: {  	v8, _, _ =	vpop (xrf2);
	v7 =	vbroadcast v11, $0xF;
	v2 =	vsel vm3, v2, v4;
	(xrf2) =	vadd.scan.msk.f32 $0xffff, v5  }
0x1c3: {  	v4 =	vbroadcast v8, $0xF;
	v2 =	vsel vm4, v2, v6  }
0x1c4: {  	v6 =	vbroadcast v13, $0xF;
	v2 =	vsel vm5, v2, v7  }
0x1c5: {  	v2 =	vsel vm6, v2, v4;
	v4 =	vbroadcast v3, $0xF;
	v5, _, _ =	vpop (xrf2)  }
0x1c6: {  	v2 =	vsel vm7, v2, v6;
	v5 =	vbroadcast v5, $0xF  }
0x1c7: {  	v1 =	vbroadcast v1, $0xF;
	v2 =	vsel vm8, v2, v4  }
0x1c8: {  	v0 =	vbroadcast v0, $0xF;
	v2 =	vsel vm9, v2, v5;
	v3, _, _ =	vpop (xrf2)  }
0x1c9: {  	v1 =	vsel vm10, v2, v1;
	v2 =	vbroadcast v3, $0xF  }
0x1ca: {  	v0 =	vsel vm11, v1, v0;
	v3 =	vbroadcast v28, $0xF  }
0x1cb: {  	v0 =	vsel vm12, v0, v2  }
0x1cc: {  	s31 =	sshll.u32 s20, $0x4;
	v0 =	vsel vm13, v0, v3;
	v1, _, _ =	vpop (xrf2)  }
0x1cd: {  	s23 =	sand.u32 $0x3FFFFFF0, s31;
	v0 =	vsel vm14, v0, v1  }
0x1ce: {  	s21 =	sshll.u32 s22, $0xB;
	[tilespmem:s23+$0x8100] =	vst v0  }
0x1cf: {  	v0 =	vld [tilespmem:s21+$0x8D0];
	_ =	sdelay $0x4  }
0x1d0: {  	[tilespmem:$0x1F7F0] =	vst v0;
	v0 =	vld [tilespmem:s21+$0x48D0];
	_ =	sdelay $0x4  }
0x1d1: {  	[tilespmem:$0x1F810] =	vst v0;
	v0 =	vld [tilespmem:s21+$0x8C0];
	_ =	sdelay $0x4  }
0x1d2: {  	[tilespmem:$0x1F820] =	vst v0;
	v0 =	vld [tilespmem:s21+$0x48C0];
	_ =	sdelay $0x4  }
0x1d3: {  	[tilespmem:$0x1F830] =	vst v0;
	v0 =	vld [tilespmem:s21+$0x7E0];
	_ =	sdelay $0x4  }
0x1d4: {  	[tilespmem:$0x1F840] =	vst v0;
	v0 =	vld [tilespmem:s21+$0x7D0];
	_ =	sdelay $0x4  }
0x1d5: {  	[tilespmem:$0x1F850] =	vst v0;
	v0 =	vld [tilespmem:s21+$0x47D0];
	_ =	sdelay $0x4  }
0x1d6: {  	[tilespmem:$0x1F860] =	vst v0;
	v0 =	vld [tilespmem:s21+$0x48A0];
	_ =	sdelay $0x4  }
0x1d7: {  	[tilespmem:$0x1F170] =	vst v0;
	v0 =	vld [tilespmem:s21+$0x46E0];
	_ =	sdelay $0x4  }
0x1d8: {  	[tilespmem:$0x1F180] =	vst v0;
	v0 =	vld [tilespmem:s21+$0x4750];
	_ =	sdelay $0x4  }
0x1d9: {  	[tilespmem:$0x1F1B0] =	vst v0;
	v0 =	vld [tilespmem:s21+$0x7C0];
	_ =	sdelay $0x4  }
0x1da: {  	[tilespmem:$0x1F1C0] =	vst v0;
	v0 =	vld [tilespmem:s21+$0x47C0];
	_ =	sdelay $0x4  }
0x1db: {  	[tilespmem:$0x1F1D0] =	vst v0;
	v0 =	vld [tilespmem:s21+$0x830];
	_ =	sdelay $0x4  }
0x1dc: {  	[tilespmem:$0x1F190] =	vst v0;
	v0 =	vld [tilespmem:s21+$0x4830];
	_ =	sdelay $0x4  }
0x1dd: {  	[tilespmem:$0x1F1A0] =	vst v0;
	v0 =	vld [tilespmem:s21+$0x880];
	_ =	sdelay $0x4  }
0x1de: {  	[tilespmem:$0x1F1E0] =	vst v0;
	v0 =	vld [tilespmem:s21+$0x4880];
	_ =	sdelay $0x4  }
0x1df: {  	[tilespmem:$0x1F1F0] =	vst v0;
	v0 =	vld [tilespmem:s21+$0x890];
	_ =	sdelay $0x4  }
0x1e0: {  	[tilespmem:$0x1F200] =	vst v0;
	v0 =	vld [tilespmem:s21+$0x4890];
	_ =	sdelay $0x4  }
0x1e1: {  	[tilespmem:$0x1F210] =	vst v0;
	v0 =	vld [tilespmem:s21+$0x5F0];
	_ =	sdelay $0x4  }
0x1e2: {  	[tilespmem:$0x1F220] =	vst v0;
	v0 =	vld [tilespmem:s21+$0x45F0];
	_ =	sdelay $0x4  }
0x1e3: {  	[tilespmem:$0x1F230] =	vst v0;
	v0 =	vld [tilespmem:s21+$0x660];
	_ =	sdelay $0x4  }
0x1e4: {  	[tilespmem:$0x1F870] =	vst v0;
	v0 =	vld [tilespmem:s21+$0x6D0];
	_ =	sdelay $0x4  }
0x1e5: {  	[tilespmem:$0x1F240] =	vst v0;
	v0 =	vld [tilespmem:s21+$0x46D0];
	_ =	sdelay $0x4  }
0x1e6: {  	[tilespmem:$0x1F250] =	vst v0;
	v0 =	vld [tilespmem:s21+$0x740];
	_ =	sdelay $0x4  }
0x1e7: {  	[tilespmem:$0x1F260] =	vst v0;
	v0 =	vld [tilespmem:s21+$0x4740];
	_ =	sdelay $0x4  }
0x1e8: {  	[tilespmem:$0x1F270] =	vst v0;
	v0 =	vld [tilespmem:s21+$0x7B0];
	_ =	sdelay $0x4  }
0x1e9: {  	[tilespmem:$0x1F280] =	vst v0;
	v0 =	vld [tilespmem:s21+$0x47B0];
	_ =	sdelay $0x4  }
0x1ea: {  	[tilespmem:$0x1F290] =	vst v0;
	v0 =	vld [tilespmem:s21+$0x570];
	_ =	sdelay $0x4  }
0x1eb: {  	[tilespmem:$0x1F2A0] =	vst v0;
	v0 =	vld [tilespmem:s21+$0x4570];
	_ =	sdelay $0x4  }
0x1ec: {  	[tilespmem:$0x1F2B0] =	vst v0;
	v0 =	vld [tilespmem:s21+$0x5E0];
	_ =	sdelay $0x4  }
0x1ed: {  	[tilespmem:$0x1F2C0] =	vst v0;
	v0 =	vld [tilespmem:s21+$0x45E0];
	_ =	sdelay $0x4  }
0x1ee: {  	[tilespmem:$0x1F2D0] =	vst v0;
	v0 =	vld [tilespmem:s21+$0x650];
	_ =	sdelay $0x4  }
0x1ef: {  	[tilespmem:$0x1F880] =	vst v0;
	v0 =	vld [tilespmem:s21+$0x4650];
	_ =	sdelay $0x4  }
0x1f0: {  	[tilespmem:$0x1F890] =	vst v0;
	v0 =	vld [tilespmem:s21+$0x6C0];
	_ =	sdelay $0x4  }
0x1f1: {  	[tilespmem:$0x1F2E0] =	vst v0;
	v0 =	vld [tilespmem:s21+$0x46C0];
	_ =	sdelay $0x4  }
0x1f2: {  	[tilespmem:$0x1F2F0] =	vst v0;
	v0 =	vld [tilespmem:s21+$0x730];
	_ =	sdelay $0x4  }
0x1f3: {  	[tilespmem:$0x1F300] =	vst v0;
	v0 =	vld [tilespmem:s21+$0x7A0];
	_ =	sdelay $0x4  }
0x1f4: {  	[tilespmem:$0x1F320] =	vst v0;
	v0 =	vld [tilespmem:s21+$0x47A0];
	_ =	sdelay $0x4  }
0x1f5: {  	[tilespmem:$0x1F330] =	vst v0;
	v0 =	vld [tilespmem:s21+$0x560];
	_ =	sdelay $0x4  }
0x1f6: {  	[tilespmem:$0x1F340] =	vst v0;
	v0 =	vld [tilespmem:s21+$0x4560];
	_ =	sdelay $0x4  }
0x1f7: {  	[tilespmem:$0x1F350] =	vst v0;
	v0 =	vld [tilespmem:s21+$0x5D0];
	_ =	sdelay $0x4  }
0x1f8: {  	[tilespmem:$0x1F3C0] =	vst v0;
	v0 =	vld [tilespmem:s21+$0x45D0];
	_ =	sdelay $0x4  }
0x1f9: {  	[tilespmem:$0x1F3D0] =	vst v0;
	v0 =	vld [tilespmem:s21+$0x640];
	_ =	sdelay $0x4  }
0x1fa: {  	[tilespmem:$0x1F3E0] =	vst v0;
	v0 =	vld [tilespmem:s21+$0x4640];
	_ =	sdelay $0x4  }
0x1fb: {  	[tilespmem:$0x1F3F0] =	vst v0;
	v0 =	vld [tilespmem:s21+$0x6B0];
	_ =	sdelay $0x4  }
0x1fc: {  	[tilespmem:$0x1F360] =	vst v0;
	v0 =	vld [tilespmem:s21+$0x46B0];
	_ =	sdelay $0x4  }
0x1fd: {  	[tilespmem:$0x1F370] =	vst v0;
	v0 =	vld [tilespmem:s21+$0x720];
	_ =	sdelay $0x4  }
0x1fe: {  	[tilespmem:$0x1F310] =	vst v0;
	v0 =	vld [tilespmem:s21+$0x780];
	_ =	sdelay $0x4  }
0x1ff: {  	[tilespmem:$0x1F380] =	vst v0;
	v0 =	vld [tilespmem:s21+$0x4780];
	_ =	sdelay $0x4  }
0x200: {  	[tilespmem:$0x1F390] =	vst v0;
	v0 =	vld [tilespmem:s21+$0x790];
	_ =	sdelay $0x4  }
0x201: {  	[tilespmem:$0x1F3A0] =	vst v0;
	v0 =	vld [tilespmem:s21+$0x4790];
	_ =	sdelay $0x4  }
0x202: {  	[tilespmem:$0x1F3B0] =	vst v0;
	v0 =	vld [tilespmem:s21+$0x470];
	_ =	sdelay $0x4  }
0x203: {  	[tilespmem:$0x1F400] =	vst v0;
	v0 =	vld [tilespmem:s21+$0x4470];
	_ =	sdelay $0x4  }
0x204: {  	[tilespmem:$0x1F410] =	vst v0;
	v0 =	vld [tilespmem:s21+$0x4E0];
	_ =	sdelay $0x4  }
0x205: {  	[tilespmem:$0x1F8A0] =	vst v0;
	v0 =	vld [tilespmem:s21+$0x550];
	_ =	sdelay $0x4  }
0x206: {  	[tilespmem:$0x1F420] =	vst v0;
	v0 =	vld [tilespmem:s21+$0x4550];
	_ =	sdelay $0x4  }
0x207: {  	[tilespmem:$0x1F430] =	vst v0;
	v0 =	vld [tilespmem:s21+$0x5C0];
	_ =	sdelay $0x4  }
0x208: {  	[tilespmem:$0x1F440] =	vst v0;
	v0 =	vld [tilespmem:s21+$0x45C0];
	_ =	sdelay $0x4  }
0x209: {  	[tilespmem:$0x1F450] =	vst v0;
	v0 =	vld [tilespmem:s21+$0x630];
	_ =	sdelay $0x4  }
0x20a: {  	[tilespmem:$0x1F480] =	vst v0;
	v0 =	vld [tilespmem:s21+$0x4630];
	_ =	sdelay $0x4  }
0x20b: {  	[tilespmem:$0x1F490] =	vst v0;
	v0 =	vld [tilespmem:s21+$0x3F0];
	_ =	sdelay $0x4  }
0x20c: {  	[tilespmem:$0x1F460] =	vst v0;
	v0 =	vld [tilespmem:s21+$0x43F0];
	_ =	sdelay $0x4  }
0x20d: {  	[tilespmem:$0x1F470] =	vst v0;
	v0 =	vld [tilespmem:s21+$0x460];
	_ =	sdelay $0x4  }
0x20e: {  	[tilespmem:$0x1F4A0] =	vst v0;
	v0 =	vld [tilespmem:s21+$0x4460];
	_ =	sdelay $0x4  }
0x20f: {  	[tilespmem:$0x1F4B0] =	vst v0;
	v0 =	vld [tilespmem:s21+$0x4D0];
	_ =	sdelay $0x4  }
0x210: {  	[tilespmem:$0x1F8B0] =	vst v0;
	v0 =	vld [tilespmem:s21+$0x44D0];
	_ =	sdelay $0x4  }
0x211: {  	[tilespmem:$0x1F8C0] =	vst v0;
	v0 =	vld [tilespmem:s21+$0x540];
	_ =	sdelay $0x4  }
0x212: {  	[tilespmem:$0x1F4C0] =	vst v0;
	v0 =	vld [tilespmem:s21+$0x4540];
	_ =	sdelay $0x4  }
0x213: {  	[tilespmem:$0x1F4D0] =	vst v0;
	v0 =	vld [tilespmem:s21+$0x5B0];
	_ =	sdelay $0x4  }
0x214: {  	[tilespmem:$0x1F4E0] =	vst v0;
	v0 =	vld [tilespmem:s21+$0x45B0];
	_ =	sdelay $0x4  }
0x215: {  	[tilespmem:$0x1F4F0] =	vst v0;
	v0 =	vld [tilespmem:s21+$0x620];
	_ =	sdelay $0x4  }
0x216: {  	[tilespmem:$0x1F500] =	vst v0;
	v0 =	vld [tilespmem:s21+$0x4620];
	_ =	sdelay $0x4  }
0x217: {  	[tilespmem:$0x1F510] =	vst v0;
	v0 =	vld [tilespmem:s21+$0x3E0];
	_ =	sdelay $0x4  }
0x218: {  	[tilespmem:$0x1F520] =	vst v0;
	v0 =	vld [tilespmem:s21+$0x43E0];
	_ =	sdelay $0x4  }
0x219: {  	[tilespmem:$0x1F530] =	vst v0;
	v0 =	vld [tilespmem:s21+$0x450];
	_ =	sdelay $0x4  }
0x21a: {  	[tilespmem:$0x1F580] =	vst v0;
	v0 =	vld [tilespmem:s21+$0x4450];
	_ =	sdelay $0x4  }
0x21b: {  	[tilespmem:$0x1F590] =	vst v0;
	v0 =	vld [tilespmem:s21+$0x4C0];
	_ =	sdelay $0x4  }
0x21c: {  	[tilespmem:$0x1F5C0] =	vst v0;
	v0 =	vld [tilespmem:s21+$0x44C0];
	_ =	sdelay $0x4  }
0x21d: {  	[tilespmem:$0x1F5D0] =	vst v0;
	v0 =	vld [tilespmem:s21+$0x530];
	_ =	sdelay $0x4  }
0x21e: {  	[tilespmem:$0x1F5A0] =	vst v0;
	v0 =	vld [tilespmem:s21+$0x4530];
	_ =	sdelay $0x4  }
0x21f: {  	[tilespmem:$0x1F5B0] =	vst v0;
	v0 =	vld [tilespmem:s21+$0x600];
	_ =	sdelay $0x4  }
0x220: {  	[tilespmem:$0x1F540] =	vst v0;
	v0 =	vld [tilespmem:s21+$0x4600];
	_ =	sdelay $0x4  }
0x221: {  	[tilespmem:$0x1F550] =	vst v0;
	v0 =	vld [tilespmem:s21+$0x610];
	_ =	sdelay $0x4  }
0x222: {  	[tilespmem:$0x1F560] =	vst v0;
	v0 =	vld [tilespmem:s21+$0x4610];
	_ =	sdelay $0x4  }
0x223: {  	[tilespmem:$0x1F570] =	vst v0;
	v0 =	vld [tilespmem:s21+$0x2F0];
	_ =	sdelay $0x4  }
0x224: {  	[tilespmem:$0x1F5E0] =	vst v0;
	v0 =	vld [tilespmem:s21+$0x42F0];
	_ =	sdelay $0x4  }
0x225: {  	[tilespmem:$0x1F5F0] =	vst v0;
	v0 =	vld [tilespmem:s21+$0x360];
	_ =	sdelay $0x4  }
0x226: {  	[tilespmem:$0x1F8D0] =	vst v0;
	v0 =	vld [tilespmem:s21+$0x3D0];
	_ =	sdelay $0x4  }
0x227: {  	[tilespmem:$0x1F600] =	vst v0;
	v0 =	vld [tilespmem:s21+$0x43D0];
	_ =	sdelay $0x4  }
0x228: {  	[tilespmem:$0x1F610] =	vst v0;
	v0 =	vld [tilespmem:s21+$0x440];
	_ =	sdelay $0x4  }
0x229: {  	[tilespmem:$0x1F620] =	vst v0;
	v0 =	vld [tilespmem:s21+$0x4440];
	_ =	sdelay $0x4  }
0x22a: {  	[tilespmem:$0x1F630] =	vst v0;
	v0 =	vld [tilespmem:s21+$0x4B0];
	_ =	sdelay $0x4  }
0x22b: {  	[tilespmem:$0x1F640] =	vst v0;
	v0 =	vld [tilespmem:s21+$0x44B0];
	_ =	sdelay $0x4  }
0x22c: {  	[tilespmem:$0x1F650] =	vst v0;
	v0 =	vld [tilespmem:s21+$0x270];
	_ =	sdelay $0x4  }
0x22d: {  	[tilespmem:$0x1F660] =	vst v0;
	v0 =	vld [tilespmem:s21+$0x2E0];
	_ =	sdelay $0x4  }
0x22e: {  	[tilespmem:$0x1F670] =	vst v0;
	v0 =	vld [tilespmem:s21+$0x350];
	_ =	sdelay $0x4  }
0x22f: {  	[tilespmem:$0x1F8E0] =	vst v0;
	v0 =	vld [tilespmem:s21+$0x4350];
	_ =	sdelay $0x4  }
0x230: {  	[tilespmem:$0x1F8F0] =	vst v0;
	v0 =	vld [tilespmem:s21+$0x3C0];
	_ =	sdelay $0x4  }
0x231: {  	[tilespmem:$0x1F680] =	vst v0;
	v0 =	vld [tilespmem:s21+$0x43C0];
	_ =	sdelay $0x4  }
0x232: {  	[tilespmem:$0x1F690] =	vst v0;
	v0 =	vld [tilespmem:s21+$0x430];
	_ =	sdelay $0x4  }
0x233: {  	[tilespmem:$0x1F6A0] =	vst v0;
	v0 =	vld [tilespmem:s21+$0x4430];
	_ =	sdelay $0x4  }
0x234: {  	[tilespmem:$0x1F6B0] =	vst v0;
	v0 =	vld [tilespmem:s21+$0x4A0];
	_ =	sdelay $0x4  }
0x235: {  	[tilespmem:$0x1F6C0] =	vst v0;
	v0 =	vld [tilespmem:s21+$0x44A0];
	_ =	sdelay $0x4  }
0x236: {  	[tilespmem:$0x1F6D0] =	vst v0;
	v0 =	vld [tilespmem:s21+$0x170];
	_ =	sdelay $0x4  }
0x237: {  	[tilespmem:$0x1F710] =	vst v0;
	v0 =	vld [tilespmem:s21+$0x4170];
	_ =	sdelay $0x4  }
0x238: {  	[tilespmem:$0x1F720] =	vst v0;
	v0 =	vld [tilespmem:s21+$0x260];
	_ =	sdelay $0x4  }
0x239: {  	[tilespmem:$0x1F730] =	vst v0;
	v0 =	vld [tilespmem:s21+$0x4260];
	_ =	sdelay $0x4  }
0x23a: {  	[tilespmem:$0x1F740] =	vst v0;
	v0 =	vld [tilespmem:s21+$0x2D0];
	_ =	sdelay $0x4  }
0x23b: {  	[tilespmem:$0x1F750] =	vst v0;
	v0 =	vld [tilespmem:s21+$0x42D0];
	_ =	sdelay $0x4  }
0x23c: {  	[tilespmem:$0x1F760] =	vst v0;
	v0 =	vld [tilespmem:s21+$0x340];
	_ =	sdelay $0x4  }
0x23d: {  	[tilespmem:$0x1F900] =	vst v0;
	v0 =	vld [tilespmem:s21+$0x4340];
	_ =	sdelay $0x4  }
0x23e: {  	[tilespmem:$0x1F910] =	vst v0;
	v0 =	vld [tilespmem:s21+$0x3B0];
	_ =	sdelay $0x4  }
0x23f: {  	[tilespmem:$0x1F6E0] =	vst v0;
	v0 =	vld [tilespmem:s21+$0x480];
	_ =	sdelay $0x4  }
0x240: {  	[tilespmem:$0x1F6F0] =	vst v0;
	v0 =	vld [tilespmem:s21+$0x4480];
	_ =	sdelay $0x4  }
0x241: {  	[tilespmem:$0x1F700] =	vst v0;
	v0 =	vld [tilespmem:s21+$0x160];
	_ =	sdelay $0x4  }
0x242: {  	[tilespmem:$0x1F770] =	vst v0;
	v0 =	vld [tilespmem:s21+$0x4160];
	_ =	sdelay $0x4  }
0x243: {  	[tilespmem:$0x1F780] =	vst v0;
	v0 =	vld [tilespmem:s21+$0x250];
	_ =	sdelay $0x4  }
0x244: {  	[tilespmem:$0x1F790] =	vst v0;
	v0 =	vld [tilespmem:s21+$0x4250];
	_ =	sdelay $0x4  }
0x245: {  	[tilespmem:$0x1F7A0] =	vst v0;
	v0 =	vld [tilespmem:s21+$0x2C0];
	_ =	sdelay $0x4  }
0x246: {  	[tilespmem:$0x1F7B0] =	vst v0;
	v0 =	vld [tilespmem:s21+$0x42C0];
	_ =	sdelay $0x4  }
0x247: {  	[tilespmem:$0x1F7C0] =	vst v0;
	v0 =	vld [tilespmem:s21+$0x330];
	_ =	sdelay $0x2  }
0x248: {  	v7 =	vld [tilespmem:s21+$0x8B0]  }
0x249: {  	v9 =	vld [tilespmem:s21+$0x48B0]  }
0x24a: {  	[tilespmem:$0x1F920] =	vst v0;
	v0 =	vld [tilespmem:s21+$0x4330];
	_ =	sdelay $0x3  }
0x24b: {  	v1 =	vld [tilespmem:s21+$0x870]  }
0x24c: {  	v2 =	vld [tilespmem:s21+$0x4870];
	[tilespmem:$0x1F930] =	vst v0;
	v0 =	vmul.f32 v9, v7  }
0x24d: {  	v57 =	vld [tilespmem:s21+$0x8A0]  }
0x24e: {  	[tilespmem:$0x1F950] =	vst v0;
	v0 =	vld [tilespmem:$0x1F170]  }
0x24f: {  	v6 =	vld [tilespmem:s21+$0x770]  }
0x250: {  	v8 =	vld [tilespmem:s21+$0x4770]  }
0x251: {  	v60 =	vld [tilespmem:s21+$0x6E0]  }
0x252: {  	v45 =	vld [tilespmem:s21+$0x800]  }
0x253: {  	v14 =	vld [tilespmem:s21+$0x4800];
	v0 =	vmul.f32 v0, v57  }
0x254: {  	v48 =	vld [tilespmem:s21+$0x810]  }
0x255: {  	[tilespmem:$0x1F9A0] =	vst v0;
	v0 =	vld [tilespmem:$0x1F180]  }
0x256: {  	v63 =	vld [tilespmem:s21+$0x4810]  }
0x257: {  	v13 =	vld [tilespmem:s21+$0x820]  }
0x258: {  	v27 =	vld [tilespmem:s21+$0x4820]  }
0x259: {  	v40 =	vmul.f32 v2, v1;
	v1 =	vld [tilespmem:$0x1F1A0]  }
0x25a: {  	v12 =	vmul.f32 v8, v6;
	v8 =	vmul.f32 v0, v60;
	v0 =	vld [tilespmem:$0x1F190]  }
0x25b: {  	v14 =	vmul.f32 v14, v45;
	v55 =	vmul.f32 v63, v48;
	_ =	sdelay $0x1  }
0x25c: {  	v13 =	vmul.f32 v27, v13;
	v14 =	vadd.f32 v55, v14  }
0x25d: {  	v58 =	vld [tilespmem:s21+$0x750]  }
0x25e: {  	v13 =	vadd.f32 v13, v14;
	v14 =	vmul.f32 v1, v0;
	v0 =	vld [tilespmem:$0x1F1B0];
	_ =	sdelay $0x3  }
0x25f: {  	v1 =	vld [tilespmem:$0x1F1D0]  }
0x260: {  	v7 =	vmul.f32 v0, v58;
	v0 =	vld [tilespmem:$0x1F1C0];
	_ =	sdelay $0x4  }
0x261: {  	v0 =	vmul.f32 v1, v0  }
0x262: {  	v1 =	vld [tilespmem:$0x1F1F0]  }
0x263: {  	[tilespmem:$0x1F800] =	vst v0;
	v0 =	vld [tilespmem:$0x1F1E0];
	_ =	sdelay $0x2  }
0x264: {  	v4 =	vld [tilespmem:s21+$0x860]  }
0x265: {  	v5 =	vld [tilespmem:s21+$0x4860]  }
0x266: {  	v2 =	vmul.f32 v1, v0;
	v0 =	vld [tilespmem:$0x1F200]  }
0x267: {  	v1 =	vld [tilespmem:$0x1F210];
	_ =	sdelay $0x3  }
0x268: {  	v53 =	vmul.f32 v5, v4;
	v4 =	vld [tilespmem:$0x1F230]  }
0x269: {  	v1 =	vmul.f32 v1, v0;
	v0 =	vld [tilespmem:$0x1F220];
	_ =	sdelay $0x4  }
0x26a: {  	v58 =	vmul.f32 v4, v0;
	v0 =	vld [tilespmem:$0x1F240]  }
0x26b: {  	v4 =	vld [tilespmem:$0x1F250];
	_ =	sdelay $0x4  }
0x26c: {  	v6 =	vmul.f32 v4, v0;
	v0 =	vld [tilespmem:s21+$0x240];
	_ =	sdelay $0x3  }
0x26d: {  	v4 =	vld [tilespmem:$0x1F270]  }
0x26e: {  	[tilespmem:$0x1F7D0] =	vst v0;
	v0 =	vld [tilespmem:$0x1F260];
	_ =	sdelay $0x4  }
0x26f: {  	v5 =	vmul.f32 v4, v0;
	v0 =	vld [tilespmem:$0x1F280]  }
0x270: {  	v4 =	vld [tilespmem:$0x1F290];
	_ =	sdelay $0x2  }
0x271: {  	v10 =	vld [tilespmem:s21+$0x850]  }
0x272: {  	v19 =	vld [tilespmem:s21+$0x4850]  }
0x273: {  	v0 =	vmul.f32 v4, v0;
	v4 =	vld [tilespmem:s21+$0x4240];
	_ =	sdelay $0x1  }
0x274: {  	v54 =	vld [tilespmem:s21+$0x840]  }
0x275: {  	v56 =	vld [tilespmem:s21+$0x4840]  }
0x276: {  	v30 =	vmul.f32 v19, v10;
	v10 =	vld [tilespmem:$0x1F2B0]  }
0x277: {  	[tilespmem:$0x1F7E0] =	vst v4;
	v4 =	vld [tilespmem:$0x1F2A0];
	_ =	sdelay $0x1  }
0x278: {  	v11 =	vld [tilespmem:s21+$0x6F0]  }
0x279: {  	v44 =	vld [tilespmem:s21+$0x46F0]  }
0x27a: {  	v38 =	vld [tilespmem:s21+$0x760]  }
0x27b: {  	v27 =	vmul.f32 v56, v54;
	v56 =	vmul.f32 v10, v4;
	v4 =	vld [tilespmem:$0x1F2C0]  }
0x27c: {  	v10 =	vld [tilespmem:$0x1F2D0]  }
0x27d: {  	v52 =	vld [tilespmem:s21+$0x4760]  }
0x27e: {  	v3 =	vld [tilespmem:s21+$0x4730];
	v13 =	vadd.f32 v14, v13  }
0x27f: {  	v36 =	vld [tilespmem:s21+$0x4720]  }
0x280: {  	[tilespmem:$0x1FA70] =	vst v0;
	v0 =	vadd.f32 v27, v13;
	v13 =	vld [tilespmem:$0x1F2F0]  }
0x281: {  	v10 =	vmul.f32 v10, v4;
	v4 =	vld [tilespmem:$0x1F2E0]  }
0x282: {  	v62 =	vld [tilespmem:s21+$0x6A0]  }
0x283: {  	v31 =	vld [tilespmem:s21+$0x46A0]  }
0x284: {  	v61 =	vld [tilespmem:s21+$0x700]  }
0x285: {  	v33 =	vld [tilespmem:s21+$0x4700]  }
0x286: {  	v4 =	vmul.f32 v13, v4;
	v13 =	vld [tilespmem:$0x1F300]  }
0x287: {  	v29 =	vld [tilespmem:s21+$0x710]  }
0x288: {  	v28 =	vld [tilespmem:s21+$0x4710]  }
0x289: {  	v23 =	vld [tilespmem:s21+$0x680]  }
0x28a: {  	v22 =	vld [tilespmem:s21+$0x4680]  }
0x28b: {  	v3 =	vmul.f32 v3, v13;
	v13 =	vld [tilespmem:s21+$0x4320]  }
0x28c: {  	v21 =	vld [tilespmem:s21+$0x690]  }
0x28d: {  	v15 =	vld [tilespmem:s21+$0x4690]  }
0x28e: {  	v59 =	vld [tilespmem:s21+$0x5A0]  }
0x28f: {  	v48 =	vadd.f32 v1, v2;
	v1 =	vld [tilespmem:s21+$0x320]  }
0x290: {  	[tilespmem:$0x1FAB0] =	vst v13;
	v13 =	vld [tilespmem:$0x1F310]  }
0x291: {  	v32 =	vld [tilespmem:s21+$0x45A0]  }
0x292: {  	v34 =	vld [tilespmem:s21+$0x520]  }
0x293: {  	v50 =	vld [tilespmem:s21+$0x4520]  }
0x294: {  	v2 =	vmul.f32 v15, v21;
	v15 =	vld [tilespmem:$0x1F330]  }
0x295: {  	[tilespmem:$0x1FA80] =	vst v1;
	v1 =	vmul.f32 v22, v23;
	v22 =	vmul.f32 v36, v13;
	v13 =	vld [tilespmem:$0x1F320]  }
0x296: {  	v20 =	vld [tilespmem:s21+$0x580];
	v0 =	vadd.f32 v30, v0  }
0x297: {  	v51 =	vld [tilespmem:s21+$0x4580]  }
0x298: {  	v47 =	vld [tilespmem:s21+$0x590];
	v0 =	vadd.f32 v53, v0  }
0x299: {  	v18 =	vld [tilespmem:s21+$0x4590]  }
0x29a: {  	v27 =	vmul.f32 v15, v13;
	v15 =	vadd.f32 v40, v0;
	v0 =	vld [tilespmem:$0x1F340]  }
0x29b: {  	v13 =	vld [tilespmem:$0x1F350]  }
0x29c: {  	v43 =	vld [tilespmem:s21+$0x4270]  }
0x29d: {  	v35 =	vld [tilespmem:s21+$0x42E0]  }
0x29e: {  	v17 =	vld [tilespmem:s21+$0x500]  }
0x29f: {  	v49 =	vld [tilespmem:s21+$0x4500]  }
0x2a0: {  	v28 =	vmul.f32 v28, v29;
	v29 =	vmul.f32 v13, v0;
	v0 =	vld [tilespmem:$0x1F360]  }
0x2a1: {  	v13 =	vld [tilespmem:$0x1F370]  }
0x2a2: {  	v37 =	vld [tilespmem:s21+$0x510]  }
0x2a3: {  	v16 =	vld [tilespmem:s21+$0x4510];
	v1 =	vadd.f32 v2, v1;
	v2 =	vmul.f32 v31, v62  }
0x2a4: {  	v46 =	vld [tilespmem:s21+$0x43B0]  }
0x2a5: {  	v33 =	vmul.f32 v33, v61;
	v1 =	vadd.f32 v2, v1;
	v2 =	vld [tilespmem:$0x1F380]  }
0x2a6: {  	v0 =	vmul.f32 v13, v0;
	v13 =	vld [tilespmem:$0x1F390]  }
0x2a7: {  	v39 =	vld [tilespmem:s21+$0x420];
	v21 =	vadd.f32 v28, v33  }
0x2a8: {  	v26 =	vld [tilespmem:s21+$0x4420]  }
0x2a9: {  	v42 =	vld [tilespmem:s21+$0x490];
	v21 =	vadd.f32 v22, v21  }
0x2aa: {  	v23 =	vld [tilespmem:$0x1F3B0]  }
0x2ab: {  	v3 =	vadd.f32 v3, v21;
	v2 =	vmul.f32 v13, v2;
	v13 =	vld [tilespmem:$0x1F3A0]  }
0x2ac: {  	v41 =	vld [tilespmem:s21+$0x4490]  }
0x2ad: {  	v25 =	vld [tilespmem:s21+$0x3A0];
	v18 =	vmul.f32 v18, v47;
	v3 =	vadd.f32 v5, v3;
	v5 =	vmul.f32 v51, v20  }
0x2ae: {  	v24 =	vld [tilespmem:s21+$0x43A0]  }
0x2af: {  	v31 =	vld [tilespmem:$0x1F3D0];
	v3 =	vadd.f32 v7, v3;
	v5 =	vadd.f32 v18, v5;
	v7 =	vmul.f32 v32, v59  }
0x2b0: {  	v23 =	vmul.f32 v23, v13;
	v13 =	vld [tilespmem:$0x1F3C0]  }
0x2b1: {  	v19 =	vld [tilespmem:s21+$0x400];
	v9 =	vmul.f32 v52, v38;
	v5 =	vadd.f32 v7, v5  }
0x2b2: {  	v7 =	vld [tilespmem:$0x1F4E0];
	v0 =	vadd.f32 v0, v1;
	v1 =	vadd.f32 v23, v2  }
0x2b3: {  	v3 =	vadd.f32 v9, v3;
	v9 =	vld [tilespmem:$0x1F4F0]  }
0x2b4: {  	[tilespmem:$0x1FB70] =	vst v1;
	v1 =	vld [tilespmem:s21+$0x4140]  }
0x2b5: {  	v33 =	vmul.f32 v31, v13;
	v13 =	vld [tilespmem:$0x1F3E0]  }
0x2b6: {  	v31 =	vld [tilespmem:$0x1F3F0]  }
0x2b7: {  	v54 =	vld [tilespmem:s21+$0x4410]  }
0x2b8: {  	v21 =	vld [tilespmem:$0x1F400]  }
0x2b9: {  	v4 =	vadd.f32 v4, v0;
	v2 =	vld [tilespmem:$0x1F430]  }
0x2ba: {  	v7 =	vmul.f32 v9, v7;
	[tilespmem:$0x1FBC0] =	vst v1;
	v1 =	vld [tilespmem:$0x1F420]  }
0x2bb: {  	v11 =	vmul.f32 v44, v11;
	v4 =	vadd.f32 v6, v4;
	v44 =	vmul.f32 v31, v13;
	v31 =	vld [tilespmem:$0x1F410]  }
0x2bc: {  	v9 =	vmul.f32 v49, v17;
	v17 =	vadd.f32 v12, v3;
	v3 =	vadd.f32 v7, v5;
	v5 =	vld [tilespmem:$0x1F510]  }
0x2bd: {  	v8 =	vadd.f32 v8, v4;
	v4 =	vld [tilespmem:$0x1F500]  }
0x2be: {  	v45 =	vld [tilespmem:s21+$0x2B0]  }
0x2bf: {  	v7 =	vld [tilespmem:$0x1F530]  }
0x2c0: {  	v62 =	vmul.f32 v31, v21;
	v31 =	vmul.f32 v2, v1;
	v1 =	vld [tilespmem:$0x1F440]  }
0x2c1: {  	v2 =	vld [tilespmem:$0x1F450]  }
0x2c2: {  	v60 =	vmul.f32 v5, v4;
	v5 =	vld [tilespmem:$0x1F520]  }
0x2c3: {  	v18 =	vld [tilespmem:$0x1F4B0]  }
0x2c4: {  	v6 =	vld [tilespmem:$0x1F4A0]  }
0x2c5: {  	v61 =	vld [tilespmem:s21+$0x4390];
	v16 =	vmul.f32 v16, v37  }
0x2c6: {  	v12 =	vld [tilespmem:$0x1F580];
	v2 =	vmul.f32 v2, v1  }
0x2c7: {  	v59 =	vmul.f32 v7, v5;
	v7 =	vadd.f32 v16, v9;
	v9 =	vld [tilespmem:$0x1F550]  }
0x2c8: {  	v2 =	vadd.f32 v2, v3;
	v3 =	vld [tilespmem:$0x1F540]  }
0x2c9: {  	v63 =	vmul.f32 v18, v6;
	v6 =	vld [tilespmem:$0x1F4C0]  }
0x2ca: {  	v16 =	vld [tilespmem:$0x1F590]  }
0x2cb: {  	v18 =	vld [tilespmem:$0x1F4D0]  }
0x2cc: {  	v4 =	vadd.f32 v11, v8;
	v8 =	vmul.f32 v50, v34;
	v11 =	vld [tilespmem:$0x1F570]  }
0x2cd: {  	v3 =	vmul.f32 v9, v3;
	v9 =	vld [tilespmem:$0x1F560]  }
0x2ce: {  	v7 =	vadd.f32 v8, v7;
	v8 =	vld [tilespmem:$0x1F5A0]  }
0x2cf: {  	v16 =	vmul.f32 v16, v12;
	v12 =	vld [tilespmem:$0x1F5B0]  }
0x2d0: {  	v47 =	vld [tilespmem:s21+$0x4300]  }
0x2d1: {  	v37 =	vld [tilespmem:s21+$0x310]  }
0x2d2: {  	v55 =	vld [tilespmem:s21+$0x4400];
	v11 =	vmul.f32 v11, v9  }
0x2d3: {  	v6 =	vmul.f32 v18, v6;
	v18 =	vld [tilespmem:$0x1F5D0]  }
0x2d4: {  	v8 =	vmul.f32 v12, v8;
	v12 =	vld [tilespmem:$0x1F5C0];
	v3 =	vadd.f32 v11, v3  }
0x2d5: {  	v11 =	vld [tilespmem:$0x1F5F0]  }
0x2d6: {  	[tilespmem:$0x1FD60] =	vst v3;
	v3 =	vld [tilespmem:$0x1F5E0]  }
0x2d7: {  	v38 =	vld [tilespmem:s21+$0x150]  }
0x2d8: {  	v52 =	vld [tilespmem:s21+$0x4380]  }
0x2d9: {  	v57 =	vld [tilespmem:s21+$0x410]  }
0x2da: {  	v36 =	vmul.f32 v18, v12;
	v12 =	vld [tilespmem:$0x1F610]  }
0x2db: {  	v3 =	vmul.f32 v11, v3;
	v11 =	vld [tilespmem:$0x1F600]  }
0x2dc: {  	v14 =	vld [tilespmem:s21+$0x4150]  }
0x2dd: {  	v28 =	vld [tilespmem:s21+$0x380]  }
0x2de: {  	v20 =	vld [tilespmem:$0x1F470]  }
0x2df: {  	v7 =	vadd.f32 v8, v7;
	v8 =	vld [tilespmem:$0x1F620]  }
0x2e0: {  	v2 =	vadd.f32 v33, v2;
	v33 =	vmul.f32 v12, v11;
	v11 =	vld [tilespmem:$0x1F630]  }
0x2e1: {  	v1 =	vld [tilespmem:$0x1F460]  }
0x2e2: {  	v22 =	vld [tilespmem:s21+$0x390]  }
0x2e3: {  	v21 =	vld [tilespmem:$0x1F490]  }
0x2e4: {  	v12 =	vld [tilespmem:$0x1F650]  }
0x2e5: {  	v11 =	vmul.f32 v11, v8;
	v8 =	vld [tilespmem:$0x1F640]  }
0x2e6: {  	v1 =	vmul.f32 v20, v1;
	v20 =	vld [tilespmem:$0x1F480]  }
0x2e7: {  	v6 =	vadd.f32 v6, v7;
	v7 =	vmul.f32 v55, v19;
	v19 =	vld [tilespmem:$0x1F680]  }
0x2e8: {  	v18 =	vmul.f32 v61, v22;
	v22 =	vld [tilespmem:$0x1F690]  }
0x2e9: {  	v14 =	vmul.f32 v14, v38;
	v38 =	vld [tilespmem:s21+$0x4110]  }
0x2ea: {  	v30 =	vld [tilespmem:s21+$0x42B0];
	v10 =	vadd.f32 v10, v2;
	v8 =	vmul.f32 v12, v8;
	v12 =	vmul.f32 v54, v57  }
0x2eb: {  	v53 =	vld [tilespmem:s21+$0x230];
	v6 =	vadd.f32 v31, v6;
	v20 =	vmul.f32 v21, v20  }
0x2ec: {  	v40 =	vld [tilespmem:s21+$0x2A0];
	v21 =	vadd.f32 v58, v10;
	v7 =	vadd.f32 v12, v7;
	v12 =	vmul.f32 v26, v39  }
0x2ed: {  	v10 =	vmul.f32 v52, v28;
	v28 =	vmul.f32 v22, v19;
	v19 =	vadd.f32 v29, v6;
	v6 =	vld [tilespmem:$0x1F6A0]  }
0x2ee: {  	v7 =	vadd.f32 v12, v7;
	v12 =	vld [tilespmem:$0x1F6B0]  }
0x2ef: {  	v51 =	vld [tilespmem:s21+$0x42A0]  }
0x2f0: {  	(xrf2) =	vadd.scan.msk.f32 $0xffff, v15;
	v15 =	vld [tilespmem:$0x1F740]  }
0x2f1: {  	v32 =	vld [tilespmem:s21+$0x280]  }
0x2f2: {  	v22 =	vld [tilespmem:$0x1F6D0];
	v10 =	vadd.f32 v18, v10;
	v18 =	vmul.f32 v24, v25  }
0x2f3: {  	v12 =	vmul.f32 v12, v6;
	v6 =	vld [tilespmem:$0x1F6C0]  }
0x2f4: {  	v10 =	vadd.f32 v18, v10;
	v18 =	vld [tilespmem:$0x1F6E0]  }
0x2f5: {  	v49 =	vld [tilespmem:s21+$0x4310]  }
0x2f6: {  	(xrf2) =	vadd.scan.msk.f32 $0xffff, v17;
	v17 =	vld [tilespmem:$0x1F7B0]  }
0x2f7: {  	v0 =	vld [tilespmem:s21+$0x4230]  }
0x2f8: {  	v23 =	vld [tilespmem:s21+$0x300];
	v6 =	vmul.f32 v22, v6  }
0x2f9: {  	v22 =	vmul.f32 v46, v18;
	v18 =	vadd.f32 v56, v19;
	v19 =	vadd.f32 v12, v7;
	v7 =	vld [tilespmem:$0x1F6F0]  }
0x2fa: {  	v12 =	vld [tilespmem:$0x1F700]  }
0x2fb: {  	v50 =	vld [tilespmem:s21+$0x4220]  }
0x2fc: {  	v34 =	vld [tilespmem:s21+$0x4280]  }
0x2fd: {  	v5 =	vld [tilespmem:s21+$0x130]  }
0x2fe: {  	v13 =	vld [tilespmem:s21+$0x140]  }
0x2ff: {  	v24 =	vmul.f32 v12, v7;
	v7 =	vld [tilespmem:$0x1F710]  }
0x300: {  	v12 =	vld [tilespmem:$0x1F720]  }
0x301: {  	v2 =	vld [tilespmem:$0x1F660]  }
0x302: {  	v31 =	vld [tilespmem:s21+$0x4200]  }
0x303: {  	v29 =	vld [tilespmem:s21+$0x200]  }
0x304: {  	v52 =	vld [tilespmem:s21+$0x4210]  }
0x305: {  	v7 =	vmul.f32 v12, v7;
	v12 =	vld [tilespmem:$0x1F730]  }
0x306: {  	v2 =	vmul.f32 v43, v2;
	v43 =	vld [tilespmem:s21+$0x120]  }
0x307: {  	v9 =	vld [tilespmem:s21+$0x4130]  }
0x308: {  	[tilespmem:$0x1FDF0] =	vst v8;
	v8 =	vld [tilespmem:$0x1F670]  }
0x309: {  	v26 =	vadd.f32 v22, v10;
	v10 =	vld [tilespmem:$0x1F750]  }
0x30a: {  	v12 =	vmul.f32 v15, v12;
	v15 =	vld [tilespmem:$0x1F760]  }
0x30b: {  	[tilespmem:$0x1FC10] =	vst v20;
	v20 =	vld [tilespmem:s21+$0x220]  }
0x30c: {  	v57 =	vld [tilespmem:s21+$0x4290]  }
0x30d: {  	v8 =	vmul.f32 v35, v8;
	v35 =	vld [tilespmem:s21+$0x290]  }
0x30e: {  	v19 =	vadd.f32 v11, v19;
	v11 =	vld [tilespmem:$0x1F770]  }
0x30f: {  	v22 =	vmul.f32 v15, v10;
	v15 =	vld [tilespmem:$0x1F780]  }
0x310: {  	v25 =	vmul.f32 v41, v42;
	v41 =	vld [tilespmem:s21+$0x4100]  }
0x311: {  	v42 =	vld [tilespmem:s21+$0x100]  }
0x312: {  	v39 =	vld [tilespmem:s21+$0x4120]  }
0x313: {  	v10 =	vadd.f32 v25, v24;
	v24 =	vld [tilespmem:$0x1F7A0]  }
0x314: {  	v58 =	vmul.f32 v57, v35;
	v11 =	vmul.f32 v15, v11;
	v15 =	vld [tilespmem:$0x1F790]  }
0x315: {  	v35 =	vmov v27;
	v27 =	vmul.f32 v30, v45;
	v45 =	vmul.f32 v51, v40;
	v51 =	vld [tilespmem:$0x1F800]  }
0x316: {  	v19 =	vadd.f32 v16, v19;
	v16 =	vld [tilespmem:$0x1F7E0]  }
0x317: {  	v25 =	vadd.f32 v28, v26;
	v28 =	vmul.f32 v34, v32;
	v34 =	vmovc v60;
	v60 =	vmov v13;
	v13 =	vld [tilespmem:$0x1F7D0]  }
0x318: {  	v46 =	vld [tilespmem:s21+$0x210]  }
0x319: {  	p0 =	sne.s32 s22, $0x7;
	v25 =	vadd.f32 v33, v25;
	v15 =	vmul.f32 v24, v15;
	v24 =	vld [tilespmem:$0x1F7C0]  }
.Ltmp0:
0x31a: {  	v26 =	vld [tilespmem:s21+$0x110];
	(pc) =	sbr.rel @p0 .LBB2_3-.Ltmp0, $4  }
0x31b: {  	v40 =	vadd.f32 v59, v25;
	v25 =	vld [tilespmem:s21+$0x190]  }
0x31c: {  	v16 =	vmul.f32 v16, v13;
	v13 =	vadd.f32 v63, v19;
	v63 =	vld [tilespmem:$0x1F7F0]  }
0x31d: {  	(xrf2) =	vadd.scan.msk.f32 $0xffff, v4;
	v46 =	vmul.f32 v52, v46;
	v52 =	vmov v48;
	v30 =	vadd.f32 v58, v28;
	v19 =	vld [tilespmem:s21+$0x4180]  }
0x31e: {  	s20 =	smov.u32 s22;
	s22 =	sadd.s32 $0x1, s22;
	v59 =	vmovc v44;
	v44 =	vmul.f32 v31, v29;
	v13 =	vadd.f32 v62, v13;
	v24 =	vmul.f32 v24, v17;
	v17 =	vld [tilespmem:s21+$0x180]  }
0x31f: {  	v28 =	vld [tilespmem:s21+$0x4190]  }
0x320: {  	v31 =	vld [tilespmem:s21+$0x1A0]  }
0x321: {  	v1 =	vadd.f32 v1, v40;
	v40 =	vld [tilespmem:s21+$0x41A0]  }
0x322: {  	v32 =	vmul.f32 v41, v42;
	v41 =	vld [tilespmem:s21+$0x1B0]  }
0x323: {  	v42 =	vmul.f32 v39, v43;
	v43 =	vld [tilespmem:s21+$0x41B0]  }
0x324: {  	v4 =	vadd.f32 v45, v30;
	v45 =	vld [tilespmem:s21+$0x1C0]  }
0x325: {  	v23 =	vmul.f32 v47, v23;
	v47 =	vld [tilespmem:s21+$0x41C0]  }
0x326: {  	v37 =	vmul.f32 v49, v37;
	v49 =	vld [tilespmem:s21+$0x1D0]  }
0x327: {  	v20 =	vmul.f32 v50, v20;
	v50 =	vld [tilespmem:$0x1FBC0]  }
0x328: {  	v0 =	vmul.f32 v0, v53;
	v53 =	vld [tilespmem:s21+$0x41D0]  }
0x329: {  	v55 =	vld [tilespmem:s21+$0x1E0]  }
0x32a: {  	v56 =	vld [tilespmem:$0x1FA80]  }
0x32b: {  	v57 =	vld [tilespmem:$0x1FAB0]  }
0x32c: {  	v58 =	vld [tilespmem:s21+$0x41E0]  }
0x32d: {  	v61 =	vld [tilespmem:$0x1F920]  }
0x32e: {  	v62 =	vld [tilespmem:$0x1F930]  }
0x32f: {  	v30 =	vld [tilespmem:$0x1F8E0]  }
0x330: {  	v26 =	vmul.f32 v38, v26;
	v38 =	vld [tilespmem:$0x1FDF0]  }
0x331: {  	v39 =	vld [tilespmem:s21+$0x4F0]  }
0x332: {  	(xrf2) =	vadd.scan.msk.f32 $0xffff, v21;
	v21 =	vld [tilespmem:$0x1FA70]  }
0x333: {  	v29 =	vadd.f32 v46, v44;
	v4 =	vadd.f32 v27, v4;
	v27 =	vld [tilespmem:s21+$0x370]  }
0x334: {  	v26 =	vadd.f32 v26, v32;
	v32 =	vld [tilespmem:s21+$0x44E0]  }
0x335: {  	v20 =	vadd.f32 v20, v29;
	v29 =	vld [tilespmem:s21+$0x4370]  }
0x336: {  	v4 =	vadd.f32 v24, v4;
	v24 =	vld [tilespmem:s21+$0x4360]  }
0x337: {  	v46 =	vadd.f32 v42, v26;
	v26 =	vld [tilespmem:$0x1F910]  }
0x338: {  	v42 =	vld [tilespmem:$0x1FD60]  }
0x339: {  	v44 =	vmul.f32 v28, v25;
	v25 =	vld [tilespmem:$0x1F900]  }
0x33a: {  	v48 =	vmul.f32 v40, v31;
	v31 =	vld [tilespmem:$0x1F8F0]  }
0x33b: {  	v54 =	vmul.f32 v43, v41;
	v41 =	vld [tilespmem:$0x1F8D0]  }
0x33c: {  	v43 =	vld [tilespmem:s21+$0x44F0]  }
0x33d: {  	v5 =	vmul.f32 v9, v5;
	v9 =	vmul.f32 v47, v45;
	v47 =	vld [tilespmem:$0x1F8C0];
	v4 =	vadd.f32 v22, v4  }
0x33e: {  	v6 =	vadd.f32 v6, v10;
	v23 =	vadd.f32 v37, v23;
	v28 =	vmul.f32 v58, v55;
	v55 =	vld [tilespmem:$0x1FB70]  }
0x33f: {  	v58 =	vld [tilespmem:$0x1F880];
	v5 =	vadd.f32 v5, v46;
	v22 =	vmul.f32 v50, v60;
	v4 =	vadd.f32 v8, v4  }
0x340: {  	v17 =	vmul.f32 v19, v17;
	v0 =	vadd.f32 v0, v20;
	v6 =	vadd.f32 v38, v6;
	v60 =	vld [tilespmem:s21+$0x1F0]  }
0x341: {  	v46 =	vld [tilespmem:$0x1F8B0];
	v5 =	vadd.f32 v22, v5;
	v3 =	vadd.f32 v3, v4;
	v4 =	vmul.f32 v57, v56  }
0x342: {  	v50 =	vld [tilespmem:$0x1FC10];
	v17 =	vadd.f32 v44, v17;
	v45 =	vadd.f32 v36, v6  }
0x343: {  	v36 =	vld [tilespmem:$0x1F840];
	v5 =	vadd.f32 v14, v5;
	v14 =	vmul.f32 v62, v61;
	v4 =	vadd.f32 v4, v23  }
0x344: {  	v0 =	vadd.f32 v16, v0;
	v8 =	vmul.f32 v53, v49;
	v53 =	vld [tilespmem:s21+$0x670];
	v17 =	vadd.f32 v48, v17  }
0x345: {  	v22 =	vld [tilespmem:s21+$0x7F0];
	v5 =	vadd.f32 v11, v5;
	v11 =	vmul.f32 v26, v25;
	v4 =	vadd.f32 v14, v4  }
0x346: {  	v49 =	vmul.f32 v29, v27;
	v29 =	vld [tilespmem:$0x1F850];
	v0 =	vadd.f32 v15, v0;
	v17 =	vadd.f32 v54, v17  }
0x347: {  	v48 =	vld [tilespmem:s21+$0x4660];
	v5 =	vadd.f32 v7, v5;
	v7 =	vmul.f32 v31, v30;
	v4 =	vadd.f32 v11, v4  }
0x348: {  	v0 =	vadd.f32 v12, v0;
	v23 =	vld [tilespmem:s21+$0x41F0];
	v9 =	vadd.f32 v9, v17  }
0x349: {  	v56 =	vld [tilespmem:s21+$0x4670];
	v40 =	vadd.f32 v7, v4;
	v4 =	vadd.f32 v34, v42  }
0x34a: {  	v54 =	vld [tilespmem:$0x1F8A0];
	v0 =	vadd.f32 v2, v0  }
0x34b: {  	(xrf2) =	vadd.scan.msk.f32 $0xffff, v18;
	v2 =	vmul.f32 v24, v41;
	v24 =	vld [tilespmem:$0x1F9A0];
	v8 =	vadd.f32 v8, v9;
	v4 =	vadd.f32 v50, v4  }
0x34c: {  	(xrf2) =	vadd.scan.msk.f32 $0xffff, v13;
	v30 =	vld [tilespmem:$0x1F860]  }
0x34d: {  	(xrf2) =	vadd.scan.msk.f32 $0xffff, v1;
	v33 =	vadd.f32 v28, v8;
	v37 =	vmul.f32 v23, v60;
	v57 =	vadd.f32 v59, v4;
	v59 =	vld [tilespmem:$0x1F890]  }
0x34e: {  	(xrf2) =	vadd.scan.msk.f32 $0xffff, v3;
	v60 =	vld [tilespmem:s21+$0x47E0]  }
0x34f: {  	v10 =	vadd.f32 v35, v55;
	v6 =	vmul.f32 v47, v46;
	(xrf2) =	vadd.scan.msk.f32 $0xffff, v0;
	v23 =	vld [tilespmem:$0x1F870];
	v44 =	vadd.f32 v37, v33  }
0x350: {  	(xrf2) =	vadd.scan.msk.f32 $0xffff, v5;
	v34 =	vld [tilespmem:$0x1F830];
	v2 =	vadd.f32 v2, v40  }
0x351: {  	v1 =	vadd.f32 v6, v45;
	v9 =	vadd.f32 v21, v10;
	v6 =	vmul.f32 v32, v54;
	v11, _, _ =	vpop (xrf2);
	v33 =	vld [tilespmem:$0x1F820];
	(xrf2) =	vadd.scan.msk.f32 $0xffff, v44  }
0x352: {  	v37 =	vld [tilespmem:$0x1F950];
	v2 =	vadd.f32 v49, v2;
	v4, _, _ =	vpop (xrf2);
	v12 =	vmul.f32 v59, v58  }
0x353: {  	v61 =	vmul.f32 v43, v39;
	v41 =	vld [tilespmem:$0x1F810];
	v27 =	vadd.f32 v51, v9;
	v1 =	vadd.f32 v6, v1;
	v62, _, _ =	vpop (xrf2)  }
0x354: {  	v26 =	vld [tilespmem:s21+$0x47F0];
	v15 =	vmul.f32 v30, v29;
	v8 =	vmul.f32 v48, v23;
	(xrf2) =	vadd.scan.msk.f32 $0xffff, v2;
	v25, _, _ =	vpop (xrf2);
	v3 =	vadd.f32 v12, v57  }
0x355: {  	v35 =	vld [tilespmem:s21+$0x48E0];
	v1 =	vadd.f32 v61, v1;
	v28, _, _ =	vpop (xrf2);
	v12 =	vadd.f32 v24, v52  }
0x356: {  	v31 =	vld [tilespmem:s21+$0x8E0];
	v0 =	vmul.f32 v56, v53;
	v6 =	vadd.f32 v15, v27;
	v32, _, _ =	vpop (xrf2);
	v3 =	vadd.f32 v8, v3  }
0x357: {  	v39 =	vld [tilespmem:s21+$0x8F0];
	v13 =	vmul.f32 v60, v36;
	(xrf2) =	vadd.scan.msk.f32 $0xffff, v1;
	v38, _, _ =	vpop (xrf2);
	v8 =	vmul.f32 v34, v33;
	v12 =	vadd.f32 v37, v12  }
0x358: {  	v18 =	vmul.f32 v41, v63;
	v42 =	vld [tilespmem:s21+$0x48F0];
	v40, _, _ =	vpop (xrf2);
	v0 =	vadd.f32 v0, v3  }
0x359: {  	v6 =	vadd.f32 v13, v6;
	v2 =	vmul.f32 v26, v22;
	v43, _, _ =	vpop (xrf2);
	v8 =	vadd.f32 v8, v12  }
0x35a: {  	v44, _, _ =	vpop (xrf2);
	(xrf2) =	vadd.scan.msk.f32 $0xffff, v0  }
0x35b: {  	v46 =	vmul.f32 v35, v31;
	v2 =	vadd.f32 v2, v6;
	v47, _, _ =	vpop (xrf2);
	v45 =	vadd.f32 v18, v8  }
0x35c: {  	v12 =	vbroadcast v47, $0xF;
	v0 =	vbroadcast v44, $0xF  }
0x35d: {  	v1 =	vmul.f32 v42, v39;
	v48 =	vbroadcast v43, $0xF;
	(xrf2) =	vadd.scan.msk.f32 $0xffff, v2;
	v6 =	vadd.f32 v46, v45  }
0x35e: {  	v3 =	vbroadcast v40, $0xF;
	v49, _, _ =	vpop (xrf2);
	v0 =	vsel vm0, v0, v12  }
0x35f: {  	v50 =	vbroadcast v49, $0xF;
	v0 =	vsel vm1, v0, v48;
	v1 =	vadd.f32 v1, v6  }
0x360: {  	v51 =	vbroadcast v38, $0xF;
	v0 =	vsel vm2, v0, v3  }
0x361: {  	v52 =	vbroadcast v32, $0xF;
	v53, _, _ =	vpop (xrf2);
	v0 =	vsel vm3, v0, v50;
	(xrf2) =	vadd.scan.msk.f32 $0xffff, v1  }
0x362: {  	v0 =	vsel vm4, v0, v51;
	v1 =	vbroadcast v53, $0xF  }
0x363: {  	v54 =	vbroadcast v28, $0xF;
	v0 =	vsel vm5, v0, v52  }
0x364: {  	v55 =	vbroadcast v25, $0xF;
	v0 =	vsel vm6, v0, v1;
	v56, _, _ =	vpop (xrf2)  }
0x365: {  	v0 =	vsel vm7, v0, v54;
	v57 =	vbroadcast v56, $0xF  }
0x366: {  	v58 =	vbroadcast v62, $0xF;
	v0 =	vsel vm8, v0, v55  }
0x367: {  	v59 =	vbroadcast v4, $0xF;
	v60, _, _ =	vpop (xrf2);
	v0 =	vsel vm9, v0, v57  }
0x368: {  	v61 =	vbroadcast v60, $0xF;
	v0 =	vsel vm10, v0, v58  }
0x369: {  	v62 =	vbroadcast v11, $0xF;
	v0 =	vsel vm11, v0, v59  }
0x36a: {  	v0 =	vsel vm12, v0, v61  }
0x36b: {  	s20 =	sshll.u32 s20, $0x4;
	s18 =	sadd.s32 $0x1, s18;
	v63, _, _ =	vpop (xrf2);
	v0 =	vsel vm13, v0, v62  }
0x36c: {  	s20 =	sand.u32 $0x3FFFFFF0, s20;
	p0 =	sne.s32 s18, $0x7B;
	v0 =	vsel vm14, v0, v63  }
.Ltmp1:
0x36d: {  	s19 =	sadd.s32 s7, s19;
	[tilespmem:s20+$0x8100] =	vst v0;
	(pc) =	sbr.rel @p0 .LBB2_2-.Ltmp1, $4  }
0x36e: {  	[hbm4b:s19+s5] =	stream.linear.scatter [tilespmem:s16], [sflag:$0x3], $0x80, $0x38;
	[tilespmem:$0x8180] =	vst v63  }
0x36f: {  	_ =	swait.ge [sflag:s10], $0x80  }
0x370: {  	[sflag:s10] =	ssyncset.done $0x0  }
0x371: {  	[sflag:s10] =	ssyncadd.s32 $0xFFFFFF80  }
0x372: {  	s17 =	sadd.s32 $0x1, s17  }
0x373: {  	p0 =	sne.s32 s17, s9  }
.Ltmp2:
0x374: {  	_ = 	snop;
	(pc) =	sbr.rel @p0 .LBB2_1-.Ltmp2, $1  }
0x375: {  	_ =	sdelay $0x3  }
0x376: {  	_ =	sfence.sel $0x180000  }
0x377: {  	[bflag:$0x0] =	sbarrier.arrive $0xFFFF  }
0x378: {  	p0 =	sne.s32 s4, $0x0;
	_ =	strace $0x90000047  }
0x379: {  	s0 =	sadd.s32 @!p0 $0x100000, s0;
	[bflag:$0x2] =	sbarrier.arrive $0xFFFF  }
0x37a: {  	[sflag:s0] =	ssyncadd.tile.s32 @!p0 $0x1;
	_ =	shalt  }
.Lfunc_end2:
_tile_overlayer_lowered:
.L_overlay_start_2:
0x37b: {  	(tag) =	ssettag $0x2  }
0x37c: {  	s0 =	rddreg [dreg:$0x0];
	s2 =	stileid.u32  }
0x37d: {  	s1 =	rddreg [dreg:$0x1];
	p0 =	sne.s32 s2, $0x0  }
0x37e: {  	s3 =	rddreg [dreg:$0x2];
	[bflag:$0x3] =	sbarrier.arrive $0xFFFF;
	s2 =	simm.s32 @!p0 $0x1C03  }
0x37f: {  	[timem:s3], [sflag:s2] =	dma.local @!p0 [hbm:s0], s1  }
0x380: {  	s0 =	simm.s32 @!p0 $0x3  }
0x381: {  	_ =	swait.ge @!p0 [sflag:s0], s1  }
0x382: {  	s1 =	ssub.s32 @!p0 $0x0, s1;
	[sflag:s0] =	ssyncset.done @!p0 $0x0  }
0x383: {  	[sflag:s0] =	ssyncadd.s32 @!p0 s1  }
0x384: {  	[bflag:$0x3] =	sbarrier.arrive $0xFFFF  }
0x385: {  	_ =	shalt  }

</sc_bundles>
